<compile_context>
chip_gen: v7x
topology: tpu7x:2x2x1
jax: 0.10.2.dev20260603
libtpu: 0.0.44.dev20260713+nightly
codegen_flags: <defaults>
</compile_context>

<pallas_src>
import functools
import math

import jax
import jax.numpy as jnp
from jax import lax
from jax.experimental import pallas as pl
from jax.experimental.pallas import tpu as pltpu, tpu_sc as plsc

NUM_HEADS = 16
NUM_HASHES = 4
BUCKET_SIZE = 64
D_MODEL = 1024
N_BATCH = 2
T_SEQ = 2048
HEAD_DIM = D_MODEL // NUM_HEADS
N_ROWS = NUM_HEADS * N_BATCH
N_BUCKETS = T_SEQ // BUCKET_SIZE
N_CHUNKS = NUM_HASHES * N_BUCKETS
CHUNK = (NUM_HASHES * T_SEQ) // N_CHUNKS
S_LEN = NUM_HASHES * T_SEQ


def _proj_body(x_ref, wq_ref, bq_ref, wv_ref, bv_ref, rot_ref, qv_ref, bkt_ref):
    x = x_ref[0]
    qk = x @ wq_ref[0] + bq_ref[0, 0]
    qv_ref[0, :, :HEAD_DIM] = qk
    qv_ref[0, :, HEAD_DIM:] = x @ wv_ref[0] + bv_ref[0, 0]
    r = qk @ rot_ref[...]
    for h in range(NUM_HASHES):
        rh = r[:, h * (N_BUCKETS // 2):(h + 1) * (N_BUCKETS // 2)]
        rcat = jnp.concatenate([rh, -rh], axis=-1)
        bkt_ref[0, h] = (jnp.argmax(rcat, axis=-1).astype(jnp.int32)
                         + h * N_BUCKETS)


def _project_heads(inputs, Wq, bq, Wv, bv, rot):
    TB = 256
    grid = (N_BATCH, T_SEQ // TB, NUM_HEADS)
    return pl.pallas_call(
        _proj_body,
        grid=grid,
        in_specs=[
            pl.BlockSpec((1, TB, D_MODEL), lambda n, t, h: (n, t, 0)),
            pl.BlockSpec((1, D_MODEL, HEAD_DIM), lambda n, t, h: (h, 0, 0)),
            pl.BlockSpec((1, 1, HEAD_DIM), lambda n, t, h: (h, 0, 0)),
            pl.BlockSpec((1, D_MODEL, HEAD_DIM), lambda n, t, h: (h, 0, 0)),
            pl.BlockSpec((1, 1, HEAD_DIM), lambda n, t, h: (h, 0, 0)),
            pl.BlockSpec((HEAD_DIM, NUM_HASHES * (N_BUCKETS // 2)),
                         lambda n, t, h: (0, 0)),
        ],
        out_specs=[
            pl.BlockSpec((1, TB, 2 * HEAD_DIM), lambda n, t, h: (2 * h + n, t, 0)),
            pl.BlockSpec((1, NUM_HASHES, TB), lambda n, t, h: (2 * h + n, 0, t)),
        ],
        out_shape=[
            jax.ShapeDtypeStruct((N_ROWS, T_SEQ, 2 * HEAD_DIM), jnp.float32),
            jax.ShapeDtypeStruct((N_ROWS, NUM_HASHES, T_SEQ), jnp.int32),
        ],
    )(inputs,
      Wq.reshape(D_MODEL, NUM_HEADS, HEAD_DIM).transpose(1, 0, 2),
      bq.reshape(NUM_HEADS, 1, HEAD_DIM),
      Wv.reshape(D_MODEL, NUM_HEADS, HEAD_DIM).transpose(1, 0, 2),
      bv.reshape(NUM_HEADS, 1, HEAD_DIM),
      rot.reshape(HEAD_DIM, NUM_HASHES * (N_BUCKETS // 2)))


def _attn_body(qc_ref, qp_ref, tc_ref, tp_ref, bc_ref, bp_ref, so_ref):
    scale = float(HEAD_DIM) ** (-0.5)
    cur = qc_ref[0]
    prev = qp_ref[0]
    q = cur[:, :, :HEAD_DIM]
    kcat = jnp.concatenate([cur[:, :, :HEAD_DIM], prev[:, :, :HEAD_DIM]],
                           axis=1)
    norm = jnp.sqrt(jnp.sum(kcat * kcat, axis=-1, keepdims=True))
    k = kcat / (norm + 1e-6)
    vcat = jnp.concatenate([cur[:, :, HEAD_DIM:], prev[:, :, HEAD_DIM:]],
                           axis=1)
    dots = jax.lax.dot_general(
        q, k, (((2,), (2,)), ((0,), (0,))),
        preferred_element_type=jnp.float32) * scale
    qt = tc_ref[0]
    kt = jnp.concatenate([tc_ref[0], tp_ref[0]], axis=1)
    qb = bc_ref[0]
    kb = jnp.concatenate([bc_ref[0], bp_ref[0]], axis=1)
    bucket_mask = qb[:, :, None] != kb[:, None, :]
    dots = jnp.where(bucket_mask, -jnp.inf, dots)
    self_mask = qt[:, :, None] == kt[:, None, :]
    dots = jnp.where(self_mask, jnp.float32(-1e-5), dots)
    m = jnp.max(dots, axis=-1, keepdims=True)
    e = jnp.exp(dots - m)
    s = jnp.sum(e, axis=-1, keepdims=True)
    lse = m + jnp.log(s)
    p = e / s
    bo = jax.lax.dot_general(
        p, vcat, (((2,), (1,)), ((0,), (0,))),
        preferred_element_type=jnp.float32)
    so_ref[0] = jnp.concatenate(
        [bo, jnp.broadcast_to(lse, bo.shape)], axis=-1)


def _chunked_attention(sqkv, st, sbucket):
    sqkv_prev = jnp.roll(sqkv, 1, axis=1)
    st_prev = jnp.roll(st, 1, axis=1)
    sb_prev = jnp.roll(sbucket, 1, axis=1)
    JB = 16
    grid = (N_ROWS, N_CHUNKS // JB)
    fblock = pl.BlockSpec((1, JB, CHUNK, 2 * HEAD_DIM),
                          lambda b, c: (b, c, 0, 0))
    iblock = pl.BlockSpec((1, JB, CHUNK), lambda b, c: (b, c, 0))
    return pl.pallas_call(
        _attn_body,
        grid=grid,
        in_specs=[fblock, fblock, iblock, iblock, iblock, iblock],
        out_specs=fblock,
        out_shape=jax.ShapeDtypeStruct(
            (N_ROWS, N_CHUNKS, CHUNK, 2 * HEAD_DIM), jnp.float32),
    )(sqkv, sqkv_prev, st, st_prev, sbucket, sb_prev)


def _rank_body(bkt_ref, rank_ref):
    G = S_LEN // 128
    bkt = bkt_ref[0]
    cols = jax.lax.broadcasted_iota(jnp.int32, (1, 1, 128), 2)
    E = (bkt[:, :, None] == cols).astype(jnp.float32)
    rows = jax.lax.broadcasted_iota(jnp.int32, (128, 128), 0)
    ccols = jax.lax.broadcasted_iota(jnp.int32, (128, 128), 1)
    Lstrict = (ccols < rows).astype(jnp.float32)
    P = jax.lax.dot_general(
        E, Lstrict, (((1,), (1,)), ((), ())),
        preferred_element_type=jnp.float32)
    P = P.transpose(0, 2, 1)
    tot = jnp.sum(E, axis=1)
    growsG = jax.lax.broadcasted_iota(jnp.int32, (G, G), 0)
    gcolsG = jax.lax.broadcasted_iota(jnp.int32, (G, G), 1)
    LG = (gcolsG < growsG).astype(jnp.float32)
    Gpre = jax.lax.dot_general(
        LG, tot, (((1,), (0,)), ((), ())),
        preferred_element_type=jnp.float32)
    total = jnp.sum(tot, axis=0)
    Ustrict = (rows < ccols).astype(jnp.float32)
    start = jax.lax.dot_general(
        total[None, :], Ustrict, (((1,), (0,)), ((), ())),
        preferred_element_type=jnp.float32)
    addend = P + Gpre[:, None, :] + start[None, :, :]
    rank = jnp.sum(E * addend, axis=2)
    rank_ref[0] = rank.astype(jnp.int32)


def _counting_rank(buckets):
    G = S_LEN // 128
    return pl.pallas_call(
        _rank_body,
        grid=(N_ROWS,),
        in_specs=[pl.BlockSpec((1, G, 128), lambda b: (b, 0, 0))],
        out_specs=pl.BlockSpec((1, G, 128), lambda b: (b, 0, 0)),
        out_shape=jax.ShapeDtypeStruct((N_ROWS, G, 128), jnp.int32),
    )(buckets.reshape(N_ROWS, G, 128)).reshape(N_ROWS, S_LEN)


_SC_MESH = dict(core_axis_name="c", subcore_axis_name="s",
                num_cores=2, num_subcores=16)
_GCHUNK = 128


def _sc_row_id():
    return lax.axis_index("s") * 2 + lax.axis_index("c")


def _sc_forward_body(rank_hbm, bkt_hbm, qkv_hbm,
                     sqkv_out, st_out, sb_out,
                     rank_v, bkt_v, st_v, sb_v, idx_v, buf, sem):
    b = _sc_row_id()
    rbase = pl.multiple_of(b * S_LEN, 8)
    pltpu.sync_copy(rank_hbm.at[pl.ds(rbase, S_LEN)], rank_v)
    pltpu.sync_copy(bkt_hbm.at[pl.ds(rbase, S_LEN)], bkt_v)

    def scalar_scatter(i, _):
        idx = rank_v[pl.ds(i * 16, 16)]
        tvals = (lax.iota(jnp.int32, 16) + i * 16) & (T_SEQ - 1)
        plsc.store_scatter(st_v, [idx], tvals)
        plsc.store_scatter(sb_v, [idx], bkt_v[pl.ds(i * 16, 16)])
        return 0

    lax.fori_loop(0, S_LEN // 16, scalar_scatter, 0)
    pltpu.sync_copy(st_v, st_out.at[pl.ds(rbase, S_LEN)])
    pltpu.sync_copy(sb_v, sb_out.at[pl.ds(rbase, S_LEN)])

    obase = b * S_LEN
    qbase = b * T_SEQ

    def row_scatter(c, _):
        def fill(j, __):
            idx_v[pl.ds(j * 16, 16)] = (
                rank_v[pl.ds(c * _GCHUNK + j * 16, 16)] + obase)
            return 0

        lax.fori_loop(0, _GCHUNK // 16, fill, 0)
        srow = pl.multiple_of(qbase + ((c * _GCHUNK) & (T_SEQ - 1)), 8)
        pltpu.sync_copy(qkv_hbm.at[pl.ds(srow, _GCHUNK)], buf)
        pltpu.async_copy(buf, sqkv_out.at[idx_v], sem).wait()
        return 0

    lax.fori_loop(0, S_LEN // _GCHUNK, row_scatter, 0)


def _sc_forward(rank, buckets, qkv_flat):
    f = functools.partial(
        pl.kernel,
        out_type=[
            jax.ShapeDtypeStruct((N_ROWS * S_LEN, 2 * HEAD_DIM), jnp.float32),
            jax.ShapeDtypeStruct((N_ROWS * S_LEN,), jnp.int32),
            jax.ShapeDtypeStruct((N_ROWS * S_LEN,), jnp.int32),
        ],
        mesh=plsc.VectorSubcoreMesh(**_SC_MESH),
        compiler_params=pltpu.CompilerParams(needs_layout_passes=False),
        scratch_types=[
            pltpu.VMEM((S_LEN,), jnp.int32),
            pltpu.VMEM((S_LEN,), jnp.int32),
            pltpu.VMEM((S_LEN,), jnp.int32),
            pltpu.VMEM((S_LEN,), jnp.int32),
            pltpu.VMEM((_GCHUNK,), jnp.int32),
            pltpu.VMEM((_GCHUNK, 2 * HEAD_DIM), jnp.float32),
            pltpu.SemaphoreType.DMA,
        ],
    )(_sc_forward_body)
    return f(rank.reshape(-1), buckets.reshape(-1), qkv_flat)


def _sc_unsort_body(rank_hbm, so_hbm, o_out,
                    rank_v, idx_v, buf, sem):
    b = _sc_row_id()
    rbase = pl.multiple_of(b * S_LEN, 8)
    pltpu.sync_copy(rank_hbm.at[pl.ds(rbase, S_LEN)], rank_v)

    obase = b * S_LEN

    def row_gather(c, _):
        def fill(j, __):
            idx_v[pl.ds(j * 16, 16)] = (
                rank_v[pl.ds(c * _GCHUNK + j * 16, 16)] + obase)
            return 0

        lax.fori_loop(0, _GCHUNK // 16, fill, 0)
        pltpu.async_copy(so_hbm.at[idx_v], buf, sem).wait()
        dbase = pl.multiple_of(obase + c * _GCHUNK, 8)
        pltpu.sync_copy(buf, o_out.at[pl.ds(dbase, _GCHUNK)])
        return 0

    lax.fori_loop(0, S_LEN // _GCHUNK, row_gather, 0)


def _sc_unsort(rank, so_flat):
    f = functools.partial(
        pl.kernel,
        out_type=jax.ShapeDtypeStruct((N_ROWS * S_LEN, 2 * HEAD_DIM),
                                      jnp.float32),
        mesh=plsc.VectorSubcoreMesh(**_SC_MESH),
        compiler_params=pltpu.CompilerParams(needs_layout_passes=False),
        scratch_types=[
            pltpu.VMEM((S_LEN,), jnp.int32),
            pltpu.VMEM((_GCHUNK,), jnp.int32),
            pltpu.VMEM((_GCHUNK, 2 * HEAD_DIM), jnp.float32),
            pltpu.SemaphoreType.DMA,
        ],
    )(_sc_unsort_body)
    return f(rank.reshape(-1), so_flat)


def _combine_body(oe_ref, out_ref):
    oe = oe_ref[0]
    o = oe[:, :, :HEAD_DIM]
    lg = oe[:, :, HEAD_DIM:HEAD_DIM + 1]
    lmax = jnp.max(lg, axis=0, keepdims=True)
    le = jnp.exp(lg - lmax)
    probs = le / jnp.sum(le, axis=0, keepdims=True)
    out_ref[0, 0] = jnp.sum(o * probs, axis=0)


def _combine(o_ext):
    TB = 256
    grid = (N_ROWS, T_SEQ // TB)
    return pl.pallas_call(
        _combine_body,
        grid=grid,
        in_specs=[pl.BlockSpec((1, NUM_HASHES, TB, 2 * HEAD_DIM),
                               lambda b, t: (b, 0, t, 0))],
        out_specs=pl.BlockSpec((1, 1, TB, HEAD_DIM),
                               lambda b, t: (b // 2, b % 2, t, 0)),
        out_shape=jax.ShapeDtypeStruct((NUM_HEADS, N_BATCH, T_SEQ, HEAD_DIM),
                                       jnp.float32),
    )(o_ext)


def _ln_body(x_ref, g_ref, b_ref, o_ref):
    x = x_ref[0]
    mean = jnp.mean(x, axis=-1, keepdims=True)
    xc = x - mean
    var = jnp.mean(xc * xc, axis=-1, keepdims=True)
    o_ref[0] = xc * jax.lax.rsqrt(var + 1e-3) * g_ref[...] + b_ref[...]


def _layer_norm(x, gamma, beta):
    TB = 256
    grid = (N_BATCH, T_SEQ // TB)
    return pl.pallas_call(
        _ln_body,
        grid=grid,
        in_specs=[
            pl.BlockSpec((1, TB, D_MODEL), lambda n, t: (n, t, 0)),
            pl.BlockSpec((D_MODEL,), lambda n, t: (0,)),
            pl.BlockSpec((D_MODEL,), lambda n, t: (0,)),
        ],
        out_specs=pl.BlockSpec((1, TB, D_MODEL), lambda n, t: (n, t, 0)),
        out_shape=jax.ShapeDtypeStruct((N_BATCH, T_SEQ, D_MODEL), jnp.float32),
    )(x, gamma, beta)


def kernel(inputs, Wq, bq, Wv, bv, gamma, beta):
    rot = jax.random.normal(jax.random.key(42),
                            (1, HEAD_DIM, NUM_HASHES, N_BUCKETS // 2),
                            dtype=jnp.float32)
    qkv, buckets = _project_heads(inputs, Wq, bq, Wv, bv, rot[0])
    buckets = buckets.reshape(N_ROWS, S_LEN)

    rank = _counting_rank(buckets)

    sqkv_flat, st, sbucket = _sc_forward(
        rank, buckets, qkv.reshape(N_ROWS * T_SEQ, 2 * HEAD_DIM))

    so_ext = _chunked_attention(
        sqkv_flat.reshape(N_ROWS, N_CHUNKS, CHUNK, 2 * HEAD_DIM),
        st.reshape(N_ROWS, N_CHUNKS, CHUNK),
        sbucket.reshape(N_ROWS, N_CHUNKS, CHUNK))

    o_ext = _sc_unsort(rank, so_ext.reshape(N_ROWS * S_LEN, 2 * HEAD_DIM))
    out = _combine(o_ext.reshape(N_ROWS, NUM_HASHES, T_SEQ, 2 * HEAD_DIM))
    out = out.transpose(1, 2, 0, 3).reshape(N_BATCH, T_SEQ, D_MODEL)
    return _layer_norm(out, gamma, beta)

# --- scband reference (transcript-rebuilt; emitter-appended) ---
"""Pipeline reference for scband-multihead-lshself-attention-78907139162461 (READ-ONLY COPY).

The authoritative reference and input builder live on the scoring server;
editing this copy changes nothing except your own understanding.
"""

import jax, jax.numpy as jnp
import numpy as np

NUM_HEADS = 16
NUM_HASHES = 4
BUCKET_SIZE = 64
D_MODEL = 1024


def make_unit_length(x, epsilon=1e-06):
    norm = jnp.linalg.norm(x, ord=2, axis=-1, keepdims=True)
    return x / (norm + epsilon)


def sort_key_val(t1, t2):
    ids = jnp.argsort(t1, axis=-1)
    return jnp.take_along_axis(t1, ids, axis=-1), jnp.take_along_axis(t2, ids, axis=-1)


def batched_index_select(values, indices):
    return jnp.take_along_axis(values, indices[:, :, None], axis=1)


def hash_vec(x, x_len, num_hashes, bucket_size, key):
    N, T, dim = x.shape
    n_buckets = x_len // bucket_size
    rot_size = n_buckets
    random_rotations = jax.random.normal(key, (1, dim, num_hashes, rot_size // 2), dtype=x.dtype)
    random_rotations = jnp.tile(random_rotations, (N, 1, 1, 1))
    rotated_vecs = jnp.einsum('btf,bfhi->bhti', x, random_rotations)
    rotated_vecs = jnp.concatenate([rotated_vecs, -rotated_vecs], axis=-1)
    tmp = jnp.argmax(rotated_vecs, axis=-1).astype(jnp.int32)
    offsets = (jnp.arange(num_hashes, dtype=jnp.int32) * n_buckets).reshape(1, -1, 1)
    buckets = (tmp + offsets).reshape(N, -1)
    return buckets


def look_one_back(x):
    x_extra = jnp.concatenate([x[:, -1:, ...], x[:, :-1, ...]], axis=1)
    return jnp.concatenate([x, x_extra], axis=2)


def lsh_attention(qk, v, T, num_hashes, bucket_size, key):
    N, _, dim = qk.shape
    buckets = hash_vec(qk, T, num_hashes, bucket_size, key)
    n_buckets = T // bucket_size
    ticker = jnp.tile(jnp.arange(num_hashes * T, dtype=jnp.int32)[None, :], (N, 1))
    buckets_and_t = T * buckets + (ticker % T)
    buckets_and_t = jax.lax.stop_gradient(buckets_and_t)
    sbuckets_and_t, sticker = sort_key_val(buckets_and_t, ticker)
    _, undo_sort = sort_key_val(sticker, ticker)
    sticker = jax.lax.stop_gradient(sticker)
    undo_sort = jax.lax.stop_gradient(undo_sort)
    st = sticker % T
    sqk = batched_index_select(qk, st)
    sv = batched_index_select(v, st)
    chunk_size = num_hashes * n_buckets
    bq_t = bkv_t = st.reshape(N, chunk_size, -1)
    bqk = sqk.reshape(N, chunk_size, -1, dim)
    bv = sv.reshape(N, chunk_size, -1, dim)
    bq = bqk
    bk = make_unit_length(bqk)
    bk = look_one_back(bk)
    bv = look_one_back(bv)
    bkv_t = look_one_back(bkv_t)
    dots = jnp.einsum('bhie,bhje->bhij', bq, bk) * (float(dim) ** (-0.5))
    q_sbuckets = jnp.take_along_axis(buckets, sticker, axis=1).reshape(N, chunk_size, -1)
    kv_sbuckets = look_one_back(q_sbuckets)
    bucket_mask = q_sbuckets[:, :, :, None] != kv_sbuckets[:, :, None, :]
    dots = jnp.where(bucket_mask, -jnp.inf, dots)
    self_mask = bq_t[:, :, :, None] == bkv_t[:, :, None, :]
    dots = jnp.where(self_mask, jnp.float32(-1e-05), dots)
    dots_logsumexp = jax.scipy.special.logsumexp(dots, axis=-1, keepdims=True)
    dots = jnp.exp(dots - dots_logsumexp)
    bo = jnp.einsum('buij,buje->buie', dots, bv)
    so = bo.reshape(N, -1, bo.shape[-1])
    slogits = dots_logsumexp.reshape(N, -1)
    o = batched_index_select(so, undo_sort)
    o = o.reshape(N, num_hashes, -1, dim)
    logits = jnp.take_along_axis(slogits, undo_sort, axis=1).reshape(N, num_hashes, -1, 1)
    probs = jnp.exp(logits - jax.scipy.special.logsumexp(logits, axis=1, keepdims=True))
    out = jnp.sum(o * probs, axis=1)
    return out


def layer_norm(x, gamma, beta, eps=1e-3):
    mean = jnp.mean(x, axis=-1, keepdims=True)
    var = jnp.var(x, axis=-1, keepdims=True)
    return (x - mean) / jnp.sqrt(var + eps) * gamma + beta


def setup_inputs(seed: int = 0) -> dict:
    key = jax.random.key(seed)
    ks = jax.random.split(key, 8)
    N, T, D = 2, 2048, 1024
    inputs = jax.random.normal(ks[0], (N, T, D), dtype=jnp.float32)
    Wq = jax.random.normal(ks[1], (D, D), dtype=jnp.float32) * (1.0 / np.sqrt(D))
    bq = jnp.zeros((D,), jnp.float32)
    Wv = jax.random.normal(ks[2], (D, D), dtype=jnp.float32) * (1.0 / np.sqrt(D))
    bv = jnp.zeros((D,), jnp.float32)
    gamma = jnp.ones((D,), jnp.float32)
    beta = jnp.zeros((D,), jnp.float32)
    return {"inputs": inputs, "Wq": Wq, "bq": bq, "Wv": Wv, "bv": bv, "gamma": gamma, "beta": beta}


def reference(inputs, Wq, bq, Wv, bv, gamma, beta):
    N, T, _ = inputs.shape
    Q = inputs @ Wq + bq
    V = inputs @ Wv + bv
    Q_ = jnp.concatenate(jnp.split(Q, NUM_HEADS, axis=-1), axis=0)
    V_ = jnp.concatenate(jnp.split(V, NUM_HEADS, axis=-1), axis=0)
    rot_key = jax.random.key(42)
    out = lsh_attention(Q_, V_, T, NUM_HASHES, BUCKET_SIZE, rot_key)
    out = jnp.concatenate(jnp.split(out, NUM_HEADS, axis=0), axis=-1)
    out = layer_norm(out, gamma, beta)
    return out

if __name__ == "__main__":
    import jax
    _d = setup_inputs()
    print(jax.jit(kernel)(*tuple(_d.values())))

</pallas_src>

<mosaic_0001>
#map = affine_map<(d0, d1) -> (0)>
#map1 = affine_map<(d0, d1) -> (0, 0)>
module attributes {stable_mosaic.version = 14 : i64} {
  func.func @_sc_unsort_body(%arg0: i32, %arg1: i32, %arg2: memref<262144xi32, #tpu.memory_space<hbm>>, %arg3: memref<262144x128xf32, #tpu.memory_space<hbm>>, %arg4: memref<262144x128xf32, #tpu.memory_space<hbm>>, %arg5: memref<8192xi32, #tpu.memory_space<vmem>>, %arg6: memref<128xi32, #tpu.memory_space<vmem>>, %arg7: memref<128x128xf32, #tpu.memory_space<vmem>>, %arg8: memref<!tpu.dma_semaphore, #tpu.memory_space<semaphore_mem>>) attributes {dimension_semantics = [#tpu.dimension_semantics<core_parallel>, #tpu.dimension_semantics<subcore_parallel>], iteration_bounds = array<i64: 2, 16>, scalar_prefetch = 0 : i64, scratch_operands = 4 : i64, tpu.core_type = #tpu.core_type<sc_vector_subcore>, window_params = [{transform_indices = #map}, {transform_indices = #map1}, {transform_indices = #map1}]} {
    %mul3A = arith.constant 2 : i32
    %mul3A_0 = arith.muli %arg1, %mul3A : i32
    %add3A = arith.addi %mul3A_0, %arg0 : i32
    %mul3A_1 = arith.constant 8192 : i32
    %mul3A_2 = arith.muli %add3A, %mul3A_1 : i32
    %multiple_of3A = tpu.assume_multiple %mul3A_2, 8 : i32
    "tpu.region"() ({
      %run_scoped3A = tpu.sem_alloc : memref<!tpu.dma_semaphore, #tpu.memory_space<semaphore_mem>>
      %dma_start3A = tpu.memref_slice %arg2[%multiple_of3A] : memref<262144xi32, #tpu.memory_space<hbm>> -> memref<8192xi32, #tpu.memory_space<hbm>>
      %dma_start3A_11 = tpu.memref_slice %arg2[%multiple_of3A] : memref<262144xi32, #tpu.memory_space<hbm>> -> memref<8192xi32, #tpu.memory_space<hbm>>
      tpu.enqueue_dma source(%dma_start3A_11 : memref<8192xi32, #tpu.memory_space<hbm>>) target(%arg5 : memref<8192xi32, #tpu.memory_space<vmem>>) target_semaphore(%run_scoped3A : memref<!tpu.dma_semaphore, #tpu.memory_space<semaphore_mem>>)
      %dma_wait3A = tpu.memref_slice %arg2[%multiple_of3A] : memref<262144xi32, #tpu.memory_space<hbm>> -> memref<8192xi32, #tpu.memory_space<hbm>>
      %dma_wait3A_12 = tpu.memref_slice %arg2[%multiple_of3A] : memref<262144xi32, #tpu.memory_space<hbm>> -> memref<8192xi32, #tpu.memory_space<hbm>>
      tpu.wait_dma2 semaphore(%run_scoped3A : memref<!tpu.dma_semaphore, #tpu.memory_space<semaphore_mem>>) src(%dma_wait3A_12 : memref<8192xi32, #tpu.memory_space<hbm>>) dst(%arg5 : memref<8192xi32, #tpu.memory_space<vmem>>)
      tpu.yield
    }) : () -> ()
    %mul3A_3 = arith.constant 8192 : i32
    %mul3A_4 = arith.muli %add3A, %mul3A_3 : i32
    %scan3A = arith.constant 0 : i32
    %scan3A_5 = arith.constant 0 : i32
    %scan3A_6 = arith.constant 64 : i32
    %scan3A_7 = arith.addi %scan3A_5, %scan3A_6 : i32
    %scan3A_8 = arith.constant 1 : i32
    %scan3A_9 = scf.for %scan3A_11 = %scan3A_5 to %scan3A_7 step %scan3A_8 iter_args(%scan3A_12 = %scan3A) -> (i32)  : i32 {
      %scan3A_13 = arith.constant 0 : i32
      %scan3A_14 = arith.constant 0 : i32
      %scan3A_15 = arith.constant 8 : i32
      %scan3A_16 = arith.addi %scan3A_14, %scan3A_15 : i32
      %scan3A_17 = arith.constant 1 : i32
      %scan3A_18 = scf.for %scan3A_29 = %scan3A_14 to %scan3A_16 step %scan3A_17 iter_args(%scan3A_30 = %scan3A_13) -> (i32)  : i32 {
        %mul3A_31 = arith.constant 128 : i32
        %mul3A_32 = arith.muli %scan3A_11, %mul3A_31 : i32
        %mul3A_33 = arith.constant 16 : i32
        %mul3A_34 = arith.muli %scan3A_29, %mul3A_33 : i32
        %add3A_35 = arith.addi %mul3A_32, %mul3A_34 : i32
        %get3A = arith.index_cast %add3A_35 : i32 to index
        %get3A_36 = tpu.vector_load %arg5[%get3A] {strides = array<i32>} : memref<8192xi32, #tpu.memory_space<vmem>>, vector<16xi32>,
        %add3A_37 = vector.broadcast %mul3A_4 : i32 to vector<16xi32>
        %add3A_38 = arith.addi %get3A_36, %add3A_37 : vector<16xi32>
        %mul3A_39 = arith.constant 16 : i32
        %mul3A_40 = arith.muli %scan3A_29, %mul3A_39 : i32
        %swap3A = arith.index_cast %mul3A_40 : i32 to index
        %swap3A_41 = tpu.vector_load %arg6[%swap3A] {strides = array<i32>} : memref<128xi32, #tpu.memory_space<vmem>>, vector<16xi32>,
        tpu.vector_store %arg6[%swap3A], %add3A_38 {strides = array<i32>} : memref<128xi32, #tpu.memory_space<vmem>>, vector<16xi32>,
        %scan3A_42 = arith.constant 0 : i32
        scf.yield %scan3A_42 : i32
      }
      %scan3A_19 = arith.constant 8 : i32
      %dma_start3A = arith.constant 0 : i32
      %dma_start3A_20 = arith.constant 0 : i32
      %dma_start3A_21 = tpu.memref_slice %arg3[%dma_start3A, %dma_start3A_20] : memref<262144x128xf32, #tpu.memory_space<hbm>> -> memref<262144x128xf32, #tpu.memory_space<hbm>>
      tpu.enqueue_indirect_dma source(%dma_start3A_21 : memref<262144x128xf32, #tpu.memory_space<hbm>>) target(%arg7 : memref<128x128xf32, #tpu.memory_space<vmem>>) offsets(%arg6 : memref<128xi32, #tpu.memory_space<vmem>>) semaphore(%arg8 : memref<!tpu.dma_semaphore, #tpu.memory_space<semaphore_mem>>)
      %dma_wait3A = arith.constant 0 : i32
      %dma_wait3A_22 = arith.constant 0 : i32
      %dma_wait3A_23 = tpu.memref_slice %arg3[%dma_wait3A, %dma_wait3A_22] : memref<262144x128xf32, #tpu.memory_space<hbm>> -> memref<262144x128xf32, #tpu.memory_space<hbm>>
      tpu.wait_indirect_dma semaphore(%arg8 : memref<!tpu.dma_semaphore, #tpu.memory_space<semaphore_mem>>) src(%dma_wait3A_23 : memref<262144x128xf32, #tpu.memory_space<hbm>>) dst(%arg7 : memref<128x128xf32, #tpu.memory_space<vmem>>)
      %mul3A_24 = arith.constant 128 : i32
      %mul3A_25 = arith.muli %scan3A_11, %mul3A_24 : i32
      %add3A_26 = arith.addi %mul3A_4, %mul3A_25 : i32
      %multiple_of3A_27 = tpu.assume_multiple %add3A_26, 8 : i32
      "tpu.region"() ({
        %run_scoped3A = tpu.sem_alloc : memref<!tpu.dma_semaphore, #tpu.memory_space<semaphore_mem>>
        %dma_start3A_29 = arith.constant 0 : i32
        %dma_start3A_30 = tpu.memref_slice %arg4[%multiple_of3A_27, %dma_start3A_29] : memref<262144x128xf32, #tpu.memory_space<hbm>> -> memref<128x128xf32, #tpu.memory_space<hbm>>
        %dma_start3A_31 = arith.constant 0 : i32
        %dma_start3A_32 = tpu.memref_slice %arg4[%multiple_of3A_27, %dma_start3A_31] : memref<262144x128xf32, #tpu.memory_space<hbm>> -> memref<128x128xf32, #tpu.memory_space<hbm>>
        tpu.enqueue_dma source(%arg7 : memref<128x128xf32, #tpu.memory_space<vmem>>) target(%dma_start3A_32 : memref<128x128xf32, #tpu.memory_space<hbm>>) target_semaphore(%run_scoped3A : memref<!tpu.dma_semaphore, #tpu.memory_space<semaphore_mem>>)
        %dma_wait3A_33 = arith.constant 0 : i32
        %dma_wait3A_34 = tpu.memref_slice %arg4[%multiple_of3A_27, %dma_wait3A_33] : memref<262144x128xf32, #tpu.memory_space<hbm>> -> memref<128x128xf32, #tpu.memory_space<hbm>>
        %dma_wait3A_35 = arith.constant 0 : i32
        %dma_wait3A_36 = tpu.memref_slice %arg4[%multiple_of3A_27, %dma_wait3A_35] : memref<262144x128xf32, #tpu.memory_space<hbm>> -> memref<128x128xf32, #tpu.memory_space<hbm>>
        tpu.wait_dma2 semaphore(%run_scoped3A : memref<!tpu.dma_semaphore, #tpu.memory_space<semaphore_mem>>) src(%arg7 : memref<128x128xf32, #tpu.memory_space<vmem>>) dst(%dma_wait3A_36 : memref<128x128xf32, #tpu.memory_space<hbm>>)
        tpu.yield
      }) : () -> ()
      %scan3A_28 = arith.constant 0 : i32
      scf.yield %scan3A_28 : i32
    }
    %scan3A_10 = arith.constant 64 : i32
    return
  }
}

#map = affine_map<(d0, d1) -> (0)>
#map1 = affine_map<(d0, d1) -> (0, 0)>
module attributes {stable_mosaic.version = 14 : i64} {
  func.func @_sc_forward_body(%arg0: i32, %arg1: i32, %arg2: memref<262144xi32, #tpu.memory_space<hbm>>, %arg3: memref<262144xi32, #tpu.memory_space<hbm>>, %arg4: memref<65536x128xf32, #tpu.memory_space<hbm>>, %arg5: memref<262144x128xf32, #tpu.memory_space<hbm>>, %arg6: memref<262144xi32, #tpu.memory_space<hbm>>, %arg7: memref<262144xi32, #tpu.memory_space<hbm>>, %arg8: memref<8192xi32, #tpu.memory_space<vmem>>, %arg9: memref<8192xi32, #tpu.memory_space<vmem>>, %arg10: memref<8192xi32, #tpu.memory_space<vmem>>, %arg11: memref<8192xi32, #tpu.memory_space<vmem>>, %arg12: memref<128xi32, #tpu.memory_space<vmem>>, %arg13: memref<128x128xf32, #tpu.memory_space<vmem>>, %arg14: memref<!tpu.dma_semaphore, #tpu.memory_space<semaphore_mem>>) attributes {dimension_semantics = [#tpu.dimension_semantics<core_parallel>, #tpu.dimension_semantics<subcore_parallel>], iteration_bounds = array<i64: 2, 16>, scalar_prefetch = 0 : i64, scratch_operands = 7 : i64, tpu.core_type = #tpu.core_type<sc_vector_subcore>, window_params = [{transform_indices = #map}, {transform_indices = #map}, {transform_indices = #map1}, {transform_indices = #map1}, {transform_indices = #map}, {transform_indices = #map}]} {
    %mul3A = arith.constant 2 : i32
    %mul3A_0 = arith.muli %arg1, %mul3A : i32
    %add3A = arith.addi %mul3A_0, %arg0 : i32
    %mul3A_1 = arith.constant 8192 : i32
    %mul3A_2 = arith.muli %add3A, %mul3A_1 : i32
    %multiple_of3A = tpu.assume_multiple %mul3A_2, 8 : i32
    "tpu.region"() ({
      %run_scoped3A = tpu.sem_alloc : memref<!tpu.dma_semaphore, #tpu.memory_space<semaphore_mem>>
      %dma_start3A = tpu.memref_slice %arg2[%multiple_of3A] : memref<262144xi32, #tpu.memory_space<hbm>> -> memref<8192xi32, #tpu.memory_space<hbm>>
      %dma_start3A_20 = tpu.memref_slice %arg2[%multiple_of3A] : memref<262144xi32, #tpu.memory_space<hbm>> -> memref<8192xi32, #tpu.memory_space<hbm>>
      tpu.enqueue_dma source(%dma_start3A_20 : memref<8192xi32, #tpu.memory_space<hbm>>) target(%arg8 : memref<8192xi32, #tpu.memory_space<vmem>>) target_semaphore(%run_scoped3A : memref<!tpu.dma_semaphore, #tpu.memory_space<semaphore_mem>>)
      %dma_wait3A = tpu.memref_slice %arg2[%multiple_of3A] : memref<262144xi32, #tpu.memory_space<hbm>> -> memref<8192xi32, #tpu.memory_space<hbm>>
      %dma_wait3A_21 = tpu.memref_slice %arg2[%multiple_of3A] : memref<262144xi32, #tpu.memory_space<hbm>> -> memref<8192xi32, #tpu.memory_space<hbm>>
      tpu.wait_dma2 semaphore(%run_scoped3A : memref<!tpu.dma_semaphore, #tpu.memory_space<semaphore_mem>>) src(%dma_wait3A_21 : memref<8192xi32, #tpu.memory_space<hbm>>) dst(%arg8 : memref<8192xi32, #tpu.memory_space<vmem>>)
      tpu.yield
    }) : () -> ()
    "tpu.region"() ({
      %run_scoped3A = tpu.sem_alloc : memref<!tpu.dma_semaphore, #tpu.memory_space<semaphore_mem>>
      %dma_start3A = tpu.memref_slice %arg3[%multiple_of3A] : memref<262144xi32, #tpu.memory_space<hbm>> -> memref<8192xi32, #tpu.memory_space<hbm>>
      %dma_start3A_20 = tpu.memref_slice %arg3[%multiple_of3A] : memref<262144xi32, #tpu.memory_space<hbm>> -> memref<8192xi32, #tpu.memory_space<hbm>>
      tpu.enqueue_dma source(%dma_start3A_20 : memref<8192xi32, #tpu.memory_space<hbm>>) target(%arg9 : memref<8192xi32, #tpu.memory_space<vmem>>) target_semaphore(%run_scoped3A : memref<!tpu.dma_semaphore, #tpu.memory_space<semaphore_mem>>)
      %dma_wait3A = tpu.memref_slice %arg3[%multiple_of3A] : memref<262144xi32, #tpu.memory_space<hbm>> -> memref<8192xi32, #tpu.memory_space<hbm>>
      %dma_wait3A_21 = tpu.memref_slice %arg3[%multiple_of3A] : memref<262144xi32, #tpu.memory_space<hbm>> -> memref<8192xi32, #tpu.memory_space<hbm>>
      tpu.wait_dma2 semaphore(%run_scoped3A : memref<!tpu.dma_semaphore, #tpu.memory_space<semaphore_mem>>) src(%dma_wait3A_21 : memref<8192xi32, #tpu.memory_space<hbm>>) dst(%arg9 : memref<8192xi32, #tpu.memory_space<vmem>>)
      tpu.yield
    }) : () -> ()
    %scan3A = arith.constant 0 : i32
    %scan3A_3 = arith.constant 0 : i32
    %scan3A_4 = arith.constant 512 : i32
    %scan3A_5 = arith.addi %scan3A_3, %scan3A_4 : i32
    %scan3A_6 = arith.constant 1 : i32
    %scan3A_7 = scf.for %scan3A_20 = %scan3A_3 to %scan3A_5 step %scan3A_6 iter_args(%scan3A_21 = %scan3A) -> (i32)  : i32 {
      %mul3A_22 = arith.constant 16 : i32
      %mul3A_23 = arith.muli %scan3A_20, %mul3A_22 : i32
      %get3A = arith.index_cast %mul3A_23 : i32 to index
      %get3A_24 = tpu.vector_load %arg8[%get3A] {strides = array<i32>} : memref<8192xi32, #tpu.memory_space<vmem>>, vector<16xi32>,
      %iota3A = tpu.iota {dimensions = array<i32: 0>} : vector<16xi32>
      %mul3A_25 = arith.constant 16 : i32
      %mul3A_26 = arith.muli %scan3A_20, %mul3A_25 : i32
      %add3A_27 = vector.broadcast %mul3A_26 : i32 to vector<16xi32>
      %add3A_28 = arith.addi %iota3A, %add3A_27 : vector<16xi32>
      %and3A = arith.constant 2047 : i32
      %and3A_29 = vector.broadcast %and3A : i32 to vector<16xi32>
      %and3A_30 = arith.andi %add3A_28, %and3A_29 : vector<16xi32>
      tpu.vector_store_idx %arg10[%get3A_24], %and3A_30 : memref<8192xi32, #tpu.memory_space<vmem>>[vector<16xi32>], vector<16xi32>,
      %mul3A_31 = arith.constant 16 : i32
      %mul3A_32 = arith.muli %scan3A_20, %mul3A_31 : i32
      %get3A_33 = arith.index_cast %mul3A_32 : i32 to index
      %get3A_34 = tpu.vector_load %arg9[%get3A_33] {strides = array<i32>} : memref<8192xi32, #tpu.memory_space<vmem>>, vector<16xi32>,
      tpu.vector_store_idx %arg11[%get3A_24], %get3A_34 : memref<8192xi32, #tpu.memory_space<vmem>>[vector<16xi32>], vector<16xi32>,
      %scan3A_35 = arith.constant 0 : i32
      scf.yield %scan3A_35 : i32
    }
    %scan3A_8 = arith.constant 512 : i32
    "tpu.region"() ({
      %run_scoped3A = tpu.sem_alloc : memref<!tpu.dma_semaphore, #tpu.memory_space<semaphore_mem>>
      %dma_start3A = tpu.memref_slice %arg6[%multiple_of3A] : memref<262144xi32, #tpu.memory_space<hbm>> -> memref<8192xi32, #tpu.memory_space<hbm>>
      %dma_start3A_20 = tpu.memref_slice %arg6[%multiple_of3A] : memref<262144xi32, #tpu.memory_space<hbm>> -> memref<8192xi32, #tpu.memory_space<hbm>>
      tpu.enqueue_dma source(%arg10 : memref<8192xi32, #tpu.memory_space<vmem>>) target(%dma_start3A_20 : memref<8192xi32, #tpu.memory_space<hbm>>) target_semaphore(%run_scoped3A : memref<!tpu.dma_semaphore, #tpu.memory_space<semaphore_mem>>)
      %dma_wait3A = tpu.memref_slice %arg6[%multiple_of3A] : memref<262144xi32, #tpu.memory_space<hbm>> -> memref<8192xi32, #tpu.memory_space<hbm>>
      %dma_wait3A_21 = tpu.memref_slice %arg6[%multiple_of3A] : memref<262144xi32, #tpu.memory_space<hbm>> -> memref<8192xi32, #tpu.memory_space<hbm>>
      tpu.wait_dma2 semaphore(%run_scoped3A : memref<!tpu.dma_semaphore, #tpu.memory_space<semaphore_mem>>) src(%arg10 : memref<8192xi32, #tpu.memory_space<vmem>>) dst(%dma_wait3A_21 : memref<8192xi32, #tpu.memory_space<hbm>>)
      tpu.yield
    }) : () -> ()
    "tpu.region"() ({
      %run_scoped3A = tpu.sem_alloc : memref<!tpu.dma_semaphore, #tpu.memory_space<semaphore_mem>>
      %dma_start3A = tpu.memref_slice %arg7[%multiple_of3A] : memref<262144xi32, #tpu.memory_space<hbm>> -> memref<8192xi32, #tpu.memory_space<hbm>>
      %dma_start3A_20 = tpu.memref_slice %arg7[%multiple_of3A] : memref<262144xi32, #tpu.memory_space<hbm>> -> memref<8192xi32, #tpu.memory_space<hbm>>
      tpu.enqueue_dma source(%arg11 : memref<8192xi32, #tpu.memory_space<vmem>>) target(%dma_start3A_20 : memref<8192xi32, #tpu.memory_space<hbm>>) target_semaphore(%run_scoped3A : memref<!tpu.dma_semaphore, #tpu.memory_space<semaphore_mem>>)
      %dma_wait3A = tpu.memref_slice %arg7[%multiple_of3A] : memref<262144xi32, #tpu.memory_space<hbm>> -> memref<8192xi32, #tpu.memory_space<hbm>>
      %dma_wait3A_21 = tpu.memref_slice %arg7[%multiple_of3A] : memref<262144xi32, #tpu.memory_space<hbm>> -> memref<8192xi32, #tpu.memory_space<hbm>>
      tpu.wait_dma2 semaphore(%run_scoped3A : memref<!tpu.dma_semaphore, #tpu.memory_space<semaphore_mem>>) src(%arg11 : memref<8192xi32, #tpu.memory_space<vmem>>) dst(%dma_wait3A_21 : memref<8192xi32, #tpu.memory_space<hbm>>)
      tpu.yield
    }) : () -> ()
    %mul3A_9 = arith.constant 8192 : i32
    %mul3A_10 = arith.muli %add3A, %mul3A_9 : i32
    %mul3A_11 = arith.constant 2048 : i32
    %mul3A_12 = arith.muli %add3A, %mul3A_11 : i32
    %scan3A_13 = arith.constant 0 : i32
    %scan3A_14 = arith.constant 0 : i32
    %scan3A_15 = arith.constant 64 : i32
    %scan3A_16 = arith.addi %scan3A_14, %scan3A_15 : i32
    %scan3A_17 = arith.constant 1 : i32
    %scan3A_18 = scf.for %scan3A_20 = %scan3A_14 to %scan3A_16 step %scan3A_17 iter_args(%scan3A_21 = %scan3A_13) -> (i32)  : i32 {
      %scan3A_22 = arith.constant 0 : i32
      %scan3A_23 = arith.constant 0 : i32
      %scan3A_24 = arith.constant 8 : i32
      %scan3A_25 = arith.addi %scan3A_23, %scan3A_24 : i32
      %scan3A_26 = arith.constant 1 : i32
      %scan3A_27 = scf.for %scan3A_39 = %scan3A_23 to %scan3A_25 step %scan3A_26 iter_args(%scan3A_40 = %scan3A_22) -> (i32)  : i32 {
        %mul3A_41 = arith.constant 128 : i32
        %mul3A_42 = arith.muli %scan3A_20, %mul3A_41 : i32
        %mul3A_43 = arith.constant 16 : i32
        %mul3A_44 = arith.muli %scan3A_39, %mul3A_43 : i32
        %add3A_45 = arith.addi %mul3A_42, %mul3A_44 : i32
        %get3A = arith.index_cast %add3A_45 : i32 to index
        %get3A_46 = tpu.vector_load %arg8[%get3A] {strides = array<i32>} : memref<8192xi32, #tpu.memory_space<vmem>>, vector<16xi32>,
        %add3A_47 = vector.broadcast %mul3A_10 : i32 to vector<16xi32>
        %add3A_48 = arith.addi %get3A_46, %add3A_47 : vector<16xi32>
        %mul3A_49 = arith.constant 16 : i32
        %mul3A_50 = arith.muli %scan3A_39, %mul3A_49 : i32
        %swap3A = arith.index_cast %mul3A_50 : i32 to index
        %swap3A_51 = tpu.vector_load %arg12[%swap3A] {strides = array<i32>} : memref<128xi32, #tpu.memory_space<vmem>>, vector<16xi32>,
        tpu.vector_store %arg12[%swap3A], %add3A_48 {strides = array<i32>} : memref<128xi32, #tpu.memory_space<vmem>>, vector<16xi32>,
        %scan3A_52 = arith.constant 0 : i32
        scf.yield %scan3A_52 : i32
      }
      %scan3A_28 = arith.constant 8 : i32
      %mul3A_29 = arith.constant 128 : i32
      %mul3A_30 = arith.muli %scan3A_20, %mul3A_29 : i32
      %and3A = arith.constant 2047 : i32
      %and3A_31 = arith.andi %mul3A_30, %and3A : i32
      %add3A_32 = arith.addi %mul3A_12, %and3A_31 : i32
      %multiple_of3A_33 = tpu.assume_multiple %add3A_32, 8 : i32
      "tpu.region"() ({
        %run_scoped3A = tpu.sem_alloc : memref<!tpu.dma_semaphore, #tpu.memory_space<semaphore_mem>>
        %dma_start3A_39 = arith.constant 0 : i32
        %dma_start3A_40 = tpu.memref_slice %arg4[%multiple_of3A_33, %dma_start3A_39] : memref<65536x128xf32, #tpu.memory_space<hbm>> -> memref<128x128xf32, #tpu.memory_space<hbm>>
        %dma_start3A_41 = arith.constant 0 : i32
        %dma_start3A_42 = tpu.memref_slice %arg4[%multiple_of3A_33, %dma_start3A_41] : memref<65536x128xf32, #tpu.memory_space<hbm>> -> memref<128x128xf32, #tpu.memory_space<hbm>>
        tpu.enqueue_dma source(%dma_start3A_42 : memref<128x128xf32, #tpu.memory_space<hbm>>) target(%arg13 : memref<128x128xf32, #tpu.memory_space<vmem>>) target_semaphore(%run_scoped3A : memref<!tpu.dma_semaphore, #tpu.memory_space<semaphore_mem>>)
        %dma_wait3A_43 = arith.constant 0 : i32
        %dma_wait3A_44 = tpu.memref_slice %arg4[%multiple_of3A_33, %dma_wait3A_43] : memref<65536x128xf32, #tpu.memory_space<hbm>> -> memref<128x128xf32, #tpu.memory_space<hbm>>
        %dma_wait3A_45 = arith.constant 0 : i32
        %dma_wait3A_46 = tpu.memref_slice %arg4[%multiple_of3A_33, %dma_wait3A_45] : memref<65536x128xf32, #tpu.memory_space<hbm>> -> memref<128x128xf32, #tpu.memory_space<hbm>>
        tpu.wait_dma2 semaphore(%run_scoped3A : memref<!tpu.dma_semaphore, #tpu.memory_space<semaphore_mem>>) src(%dma_wait3A_46 : memref<128x128xf32, #tpu.memory_space<hbm>>) dst(%arg13 : memref<128x128xf32, #tpu.memory_space<vmem>>)
        tpu.yield
      }) : () -> ()
      %dma_start3A = arith.constant 0 : i32
      %dma_start3A_34 = arith.constant 0 : i32
      %dma_start3A_35 = tpu.memref_slice %arg5[%dma_start3A, %dma_start3A_34] : memref<262144x128xf32, #tpu.memory_space<hbm>> -> memref<262144x128xf32, #tpu.memory_space<hbm>>
      tpu.enqueue_indirect_dma source(%arg13 : memref<128x128xf32, #tpu.memory_space<vmem>>) target(%dma_start3A_35 : memref<262144x128xf32, #tpu.memory_space<hbm>>) offsets(%arg12 : memref<128xi32, #tpu.memory_space<vmem>>) semaphore(%arg14 : memref<!tpu.dma_semaphore, #tpu.memory_space<semaphore_mem>>)
      %dma_wait3A = arith.constant 0 : i32
      %dma_wait3A_36 = arith.constant 0 : i32
      %dma_wait3A_37 = tpu.memref_slice %arg5[%dma_wait3A, %dma_wait3A_36] : memref<262144x128xf32, #tpu.memory_space<hbm>> -> memref<262144x128xf32, #tpu.memory_space<hbm>>
      tpu.wait_indirect_dma semaphore(%arg14 : memref<!tpu.dma_semaphore, #tpu.memory_space<semaphore_mem>>) src(%arg13 : memref<128x128xf32, #tpu.memory_space<vmem>>) dst(%dma_wait3A_37 : memref<262144x128xf32, #tpu.memory_space<hbm>>)
      %scan3A_38 = arith.constant 0 : i32
      scf.yield %scan3A_38 : i32
    }
    %scan3A_19 = arith.constant 64 : i32
    return
  }
}

module attributes {stable_mosaic.version = 14 : i64} {
  func.func @_proj_body(%arg0: i32, %arg1: i32, %arg2: i32, %arg3: memref<1x256x1024xf32, #tpu.memory_space<vmem>>, %arg4: memref<1x1024x64xf32, #tpu.memory_space<vmem>>, %arg5: memref<1x1x64xf32, #tpu.memory_space<vmem>>, %arg6: memref<1x1024x64xf32, #tpu.memory_space<vmem>>, %arg7: memref<1x1x64xf32, #tpu.memory_space<vmem>>, %arg8: memref<64x64xf32, #tpu.memory_space<vmem>>, %arg9: memref<1x256x128xf32, #tpu.memory_space<vmem>>, %arg10: memref<1x4x256xi32, #tpu.memory_space<vmem>>) attributes {dimension_semantics = [#tpu.dimension_semantics<arbitrary>, #tpu.dimension_semantics<arbitrary>, #tpu.dimension_semantics<arbitrary>], iteration_bounds = array<i64: 2, 8, 16>, scalar_prefetch = 0 : i64, scratch_operands = 0 : i64, tpu.core_type = #tpu.core_type<tc>, window_params = [{transform_indices = @transform_0, window_bounds = array<i64: 1, 256, 1024>}, {transform_indices = @transform_1, window_bounds = array<i64: 1, 1024, 64>}, {transform_indices = @transform_2, window_bounds = array<i64: 1, 1, 64>}, {transform_indices = @transform_3, window_bounds = array<i64: 1, 1024, 64>}, {transform_indices = @transform_4, window_bounds = array<i64: 1, 1, 64>}, {pipeline_mode = #tpu.pipeline_mode<synchronous>, transform_indices = @transform_5, window_bounds = array<i64: 64, 64>}, {transform_indices = @transform_6, window_bounds = array<i64: 1, 256, 128>}, {transform_indices = @transform_7, window_bounds = array<i64: 1, 4, 256>}]} {
    %get3A = arith.constant 0 : index
    %get3A_0 = arith.constant 0 : index
    %get3A_1 = arith.constant 0 : index
    %get3A_2 = vector.load %arg3[%get3A, %get3A_0, %get3A_1] : memref<1x256x1024xf32, #tpu.memory_space<vmem>>, vector<1x256x1024xf32>
    %get3A_3 = vector.shape_cast %get3A_2 : vector<1x256x1024xf32> to vector<256x1024xf32>
    %get3A_4 = arith.constant 0 : index
    %get3A_5 = arith.constant 0 : index
    %get3A_6 = arith.constant 0 : index
    %get3A_7 = vector.load %arg4[%get3A_4, %get3A_5, %get3A_6] : memref<1x1024x64xf32, #tpu.memory_space<vmem>>, vector<1x1024x64xf32>
    %get3A_8 = vector.shape_cast %get3A_7 : vector<1x1024x64xf32> to vector<1024x64xf32>
    %dot_general3A = arith.constant dense<0.000000e+00> : vector<256x64xf32>
    %dot_general3A_9 = tpu.matmul %get3A_3, %get3A_8, %dot_general3A {dimension_numbers = #tpu.dot_dimension_numbers<[1], [0], [0], [1], [0, 0, 1, 1], [], []>, transpose_lhs_hint = false} : vector<256x1024xf32>, vector<1024x64xf32>, vector<256x64xf32> -> vector<256x64xf32>
    %get3A_10 = arith.constant 0 : index
    %get3A_11 = arith.constant 0 : index
    %get3A_12 = arith.constant 0 : index
    %get3A_13 = vector.load %arg5[%get3A_10, %get3A_11, %get3A_12] : memref<1x1x64xf32, #tpu.memory_space<vmem>>, vector<1x1x64xf32>
    %get3A_14 = vector.shape_cast %get3A_13 : vector<1x1x64xf32> to vector<64xf32>
    %broadcast_in_dim3A = vector.shape_cast %get3A_14 : vector<64xf32> to vector<1x64xf32>
    %add3A = vector.broadcast %broadcast_in_dim3A : vector<1x64xf32> to vector<256x64xf32>
    %add3A_15 = arith.addf %dot_general3A_9, %add3A : vector<256x64xf32>
    %swap3A = arith.constant 0 : index
    %swap3A_16 = arith.constant 0 : index
    %swap3A_17 = arith.constant 0 : index
    %swap3A_18 = vector.load %arg9[%swap3A, %swap3A_16, %swap3A_17] : memref<1x256x128xf32, #tpu.memory_space<vmem>>, vector<1x256x64xf32>
    %swap3A_19 = vector.shape_cast %swap3A_18 : vector<1x256x64xf32> to vector<256x64xf32>
    %swap3A_20 = vector.shape_cast %add3A_15 : vector<256x64xf32> to vector<1x256x64xf32>
    tpu.vector_store %arg9[%swap3A, %swap3A_16, %swap3A_17], %swap3A_20 {strides = array<i32>} : memref<1x256x128xf32, #tpu.memory_space<vmem>>, vector<1x256x64xf32>,
    %get3A_21 = arith.constant 0 : index
    %get3A_22 = arith.constant 0 : index
    %get3A_23 = arith.constant 0 : index
    %get3A_24 = vector.load %arg6[%get3A_21, %get3A_22, %get3A_23] : memref<1x1024x64xf32, #tpu.memory_space<vmem>>, vector<1x1024x64xf32>
    %get3A_25 = vector.shape_cast %get3A_24 : vector<1x1024x64xf32> to vector<1024x64xf32>
    %dot_general3A_26 = arith.constant dense<0.000000e+00> : vector<256x64xf32>
    %dot_general3A_27 = tpu.matmul %get3A_3, %get3A_25, %dot_general3A_26 {dimension_numbers = #tpu.dot_dimension_numbers<[1], [0], [0], [1], [0, 0, 1, 1], [], []>, transpose_lhs_hint = false} : vector<256x1024xf32>, vector<1024x64xf32>, vector<256x64xf32> -> vector<256x64xf32>
    %get3A_28 = arith.constant 0 : index
    %get3A_29 = arith.constant 0 : index
    %get3A_30 = arith.constant 0 : index
    %get3A_31 = vector.load %arg7[%get3A_28, %get3A_29, %get3A_30] : memref<1x1x64xf32, #tpu.memory_space<vmem>>, vector<1x1x64xf32>
    %get3A_32 = vector.shape_cast %get3A_31 : vector<1x1x64xf32> to vector<64xf32>
    %broadcast_in_dim3A_33 = vector.shape_cast %get3A_32 : vector<64xf32> to vector<1x64xf32>
    %add3A_34 = vector.broadcast %broadcast_in_dim3A_33 : vector<1x64xf32> to vector<256x64xf32>
    %add3A_35 = arith.addf %dot_general3A_27, %add3A_34 : vector<256x64xf32>
    %swap3A_36 = arith.constant 0 : index
    %swap3A_37 = arith.constant 0 : index
    %swap3A_38 = arith.constant 64 : index
    %swap3A_39 = vector.load %arg9[%swap3A_36, %swap3A_37, %swap3A_38] : memref<1x256x128xf32, #tpu.memory_space<vmem>>, vector<1x256x64xf32>
    %swap3A_40 = vector.shape_cast %swap3A_39 : vector<1x256x64xf32> to vector<256x64xf32>
    %swap3A_41 = vector.shape_cast %add3A_35 : vector<256x64xf32> to vector<1x256x64xf32>
    tpu.vector_store %arg9[%swap3A_36, %swap3A_37, %swap3A_38], %swap3A_41 {strides = array<i32>} : memref<1x256x128xf32, #tpu.memory_space<vmem>>, vector<1x256x64xf32>,
    %get3A_42 = arith.constant 0 : index
    %get3A_43 = arith.constant 0 : index
    %get3A_44 = vector.load %arg8[%get3A_42, %get3A_43] : memref<64x64xf32, #tpu.memory_space<vmem>>, vector<64x64xf32>
    %dot_general3A_45 = arith.constant dense<0.000000e+00> : vector<256x64xf32>
    %dot_general3A_46 = tpu.matmul %add3A_15, %get3A_44, %dot_general3A_45 {dimension_numbers = #tpu.dot_dimension_numbers<[1], [0], [0], [1], [0, 0, 1, 1], [], []>, transpose_lhs_hint = false} : vector<256x64xf32>, vector<64x64xf32>, vector<256x64xf32> -> vector<256x64xf32>
    %slice3A = vector.extract_strided_slice %dot_general3A_46 {offsets = [0, 0], sizes = [256, 16], strides = [1, 1]} : vector<256x64xf32> to vector<256x16xf32>
    %neg3A = arith.constant 0.000000e+00 : f32
    %neg3A_47 = vector.broadcast %neg3A : f32 to vector<256x16xf32>
    %neg3A_48 = arith.subf %neg3A_47, %slice3A : vector<256x16xf32>
    %concatenate3A = tpu.concatenate %slice3A, %neg3A_48 in 1 : vector<256x16xf32>, vector<256x16xf32> -> vector<256x32xf32>
    %argmax3A = tpu.reduce_index %concatenate3A {axis = 1 : i32, kind = #tpu.reduction_kind<arg_max>} : vector<256x32xf32> -> vector<256xi32>
    %add3A_49 = arith.constant 0 : i32
    %add3A_50 = vector.broadcast %add3A_49 : i32 to vector<256xi32>
    %add3A_51 = arith.addi %argmax3A, %add3A_50 : vector<256xi32>
    %swap3A_52 = arith.constant 0 : index
    %swap3A_53 = arith.constant 0 : index
    %swap3A_54 = arith.constant 0 : index
    %swap3A_55 = vector.load %arg10[%swap3A_52, %swap3A_53, %swap3A_54] : memref<1x4x256xi32, #tpu.memory_space<vmem>>, vector<1x1x256xi32>
    %swap3A_56 = vector.shape_cast %swap3A_55 : vector<1x1x256xi32> to vector<256xi32>
    %swap3A_57 = vector.shape_cast %add3A_51 : vector<256xi32> to vector<1x1x256xi32>
    tpu.vector_store %arg10[%swap3A_52, %swap3A_53, %swap3A_54], %swap3A_57 {strides = array<i32>} : memref<1x4x256xi32, #tpu.memory_space<vmem>>, vector<1x1x256xi32>,
    %slice3A_58 = vector.extract_strided_slice %dot_general3A_46 {offsets = [0, 16], sizes = [256, 16], strides = [1, 1]} : vector<256x64xf32> to vector<256x16xf32>
    %neg3A_59 = arith.constant 0.000000e+00 : f32
    %neg3A_60 = vector.broadcast %neg3A_59 : f32 to vector<256x16xf32>
    %neg3A_61 = arith.subf %neg3A_60, %slice3A_58 : vector<256x16xf32>
    %concatenate3A_62 = tpu.concatenate %slice3A_58, %neg3A_61 in 1 : vector<256x16xf32>, vector<256x16xf32> -> vector<256x32xf32>
    %argmax3A_63 = tpu.reduce_index %concatenate3A_62 {axis = 1 : i32, kind = #tpu.reduction_kind<arg_max>} : vector<256x32xf32> -> vector<256xi32>
    %add3A_64 = arith.constant 32 : i32
    %add3A_65 = vector.broadcast %add3A_64 : i32 to vector<256xi32>
    %add3A_66 = arith.addi %argmax3A_63, %add3A_65 : vector<256xi32>
    %swap3A_67 = arith.constant 0 : index
    %swap3A_68 = arith.constant 1 : index
    %swap3A_69 = arith.constant 0 : index
    %swap3A_70 = vector.load %arg10[%swap3A_67, %swap3A_68, %swap3A_69] : memref<1x4x256xi32, #tpu.memory_space<vmem>>, vector<1x1x256xi32>
    %swap3A_71 = vector.shape_cast %swap3A_70 : vector<1x1x256xi32> to vector<256xi32>
    %swap3A_72 = vector.shape_cast %add3A_66 : vector<256xi32> to vector<1x1x256xi32>
    tpu.vector_store %arg10[%swap3A_67, %swap3A_68, %swap3A_69], %swap3A_72 {strides = array<i32>} : memref<1x4x256xi32, #tpu.memory_space<vmem>>, vector<1x1x256xi32>,
    %slice3A_73 = vector.extract_strided_slice %dot_general3A_46 {offsets = [0, 32], sizes = [256, 16], strides = [1, 1]} : vector<256x64xf32> to vector<256x16xf32>
    %neg3A_74 = arith.constant 0.000000e+00 : f32
    %neg3A_75 = vector.broadcast %neg3A_74 : f32 to vector<256x16xf32>
    %neg3A_76 = arith.subf %neg3A_75, %slice3A_73 : vector<256x16xf32>
    %concatenate3A_77 = tpu.concatenate %slice3A_73, %neg3A_76 in 1 : vector<256x16xf32>, vector<256x16xf32> -> vector<256x32xf32>
    %argmax3A_78 = tpu.reduce_index %concatenate3A_77 {axis = 1 : i32, kind = #tpu.reduction_kind<arg_max>} : vector<256x32xf32> -> vector<256xi32>
    %add3A_79 = arith.constant 64 : i32
    %add3A_80 = vector.broadcast %add3A_79 : i32 to vector<256xi32>
    %add3A_81 = arith.addi %argmax3A_78, %add3A_80 : vector<256xi32>
    %swap3A_82 = arith.constant 0 : index
    %swap3A_83 = arith.constant 2 : index
    %swap3A_84 = arith.constant 0 : index
    %swap3A_85 = vector.load %arg10[%swap3A_82, %swap3A_83, %swap3A_84] : memref<1x4x256xi32, #tpu.memory_space<vmem>>, vector<1x1x256xi32>
    %swap3A_86 = vector.shape_cast %swap3A_85 : vector<1x1x256xi32> to vector<256xi32>
    %swap3A_87 = vector.shape_cast %add3A_81 : vector<256xi32> to vector<1x1x256xi32>
    tpu.vector_store %arg10[%swap3A_82, %swap3A_83, %swap3A_84], %swap3A_87 {strides = array<i32>} : memref<1x4x256xi32, #tpu.memory_space<vmem>>, vector<1x1x256xi32>,
    %slice3A_88 = vector.extract_strided_slice %dot_general3A_46 {offsets = [0, 48], sizes = [256, 16], strides = [1, 1]} : vector<256x64xf32> to vector<256x16xf32>
    %neg3A_89 = arith.constant 0.000000e+00 : f32
    %neg3A_90 = vector.broadcast %neg3A_89 : f32 to vector<256x16xf32>
    %neg3A_91 = arith.subf %neg3A_90, %slice3A_88 : vector<256x16xf32>
    %concatenate3A_92 = tpu.concatenate %slice3A_88, %neg3A_91 in 1 : vector<256x16xf32>, vector<256x16xf32> -> vector<256x32xf32>
    %argmax3A_93 = tpu.reduce_index %concatenate3A_92 {axis = 1 : i32, kind = #tpu.reduction_kind<arg_max>} : vector<256x32xf32> -> vector<256xi32>
    %add3A_94 = arith.constant 96 : i32
    %add3A_95 = vector.broadcast %add3A_94 : i32 to vector<256xi32>
    %add3A_96 = arith.addi %argmax3A_93, %add3A_95 : vector<256xi32>
    %swap3A_97 = arith.constant 0 : index
    %swap3A_98 = arith.constant 3 : index
    %swap3A_99 = arith.constant 0 : index
    %swap3A_100 = vector.load %arg10[%swap3A_97, %swap3A_98, %swap3A_99] : memref<1x4x256xi32, #tpu.memory_space<vmem>>, vector<1x1x256xi32>
    %swap3A_101 = vector.shape_cast %swap3A_100 : vector<1x1x256xi32> to vector<256xi32>
    %swap3A_102 = vector.shape_cast %add3A_96 : vector<256xi32> to vector<1x1x256xi32>
    tpu.vector_store %arg10[%swap3A_97, %swap3A_98, %swap3A_99], %swap3A_102 {strides = array<i32>} : memref<1x4x256xi32, #tpu.memory_space<vmem>>, vector<1x1x256xi32>,
    return
  }
  func.func @transform_0(%arg0: i32, %arg1: i32, %arg2: i32) -> (i32, i32, i32) {
    %c0_i32 = arith.constant 0 : i32
    %c0_i32_0 = arith.constant 0 : i32
    return %arg0, %arg1, %c0_i32 : i32, i32, i32
  }
  func.func @transform_1(%arg0: i32, %arg1: i32, %arg2: i32) -> (i32, i32, i32) {
    %c0_i32 = arith.constant 0 : i32
    %c0_i32_0 = arith.constant 0 : i32
    %c0_i32_1 = arith.constant 0 : i32
    return %arg2, %c0_i32, %c0_i32_0 : i32, i32, i32
  }
  func.func @transform_2(%arg0: i32, %arg1: i32, %arg2: i32) -> (i32, i32, i32) {
    %c0_i32 = arith.constant 0 : i32
    %c0_i32_0 = arith.constant 0 : i32
    %c0_i32_1 = arith.constant 0 : i32
    return %arg2, %c0_i32, %c0_i32_0 : i32, i32, i32
  }
  func.func @transform_3(%arg0: i32, %arg1: i32, %arg2: i32) -> (i32, i32, i32) {
    %c0_i32 = arith.constant 0 : i32
    %c0_i32_0 = arith.constant 0 : i32
    %c0_i32_1 = arith.constant 0 : i32
    return %arg2, %c0_i32, %c0_i32_0 : i32, i32, i32
  }
  func.func @transform_4(%arg0: i32, %arg1: i32, %arg2: i32) -> (i32, i32, i32) {
    %c0_i32 = arith.constant 0 : i32
    %c0_i32_0 = arith.constant 0 : i32
    %c0_i32_1 = arith.constant 0 : i32
    return %arg2, %c0_i32, %c0_i32_0 : i32, i32, i32
  }
  func.func @transform_5(%arg0: i32, %arg1: i32, %arg2: i32) -> (i32, i32) {
    %c0_i32 = arith.constant 0 : i32
    %c0_i32_0 = arith.constant 0 : i32
    %c0_i32_1 = arith.constant 0 : i32
    return %c0_i32, %c0_i32_0 : i32, i32
  }
  func.func @transform_6(%arg0: i32, %arg1: i32, %arg2: i32) -> (i32, i32, i32) {
    %mul3A = arith.constant 2 : i32
    %mul3A_0 = arith.muli %mul3A, %arg2 : i32
    %add3A = arith.addi %mul3A_0, %arg0 : i32
    %c0_i32 = arith.constant 0 : i32
    %c0_i32_1 = arith.constant 0 : i32
    return %add3A, %arg1, %c0_i32 : i32, i32, i32
  }
  func.func @transform_7(%arg0: i32, %arg1: i32, %arg2: i32) -> (i32, i32, i32) {
    %mul3A = arith.constant 2 : i32
    %mul3A_0 = arith.muli %mul3A, %arg2 : i32
    %add3A = arith.addi %mul3A_0, %arg0 : i32
    %c0_i32 = arith.constant 0 : i32
    %c0_i32_1 = arith.constant 0 : i32
    return %add3A, %c0_i32, %arg1 : i32, i32, i32
  }
}

module attributes {stable_mosaic.version = 14 : i64} {
  func.func @_rank_body(%arg0: i32, %arg1: memref<1x64x128xi32, #tpu.memory_space<vmem>>, %arg2: memref<1x64x128xi32, #tpu.memory_space<vmem>>) attributes {dimension_semantics = [#tpu.dimension_semantics<arbitrary>], iteration_bounds = array<i64: 32>, scalar_prefetch = 0 : i64, scratch_operands = 0 : i64, tpu.core_type = #tpu.core_type<tc>, window_params = [{transform_indices = @transform_0, window_bounds = array<i64: 1, 64, 128>}, {transform_indices = @transform_1, window_bounds = array<i64: 1, 64, 128>}]} {
    %get3A = arith.constant 0 : index
    %get3A_0 = arith.constant 0 : index
    %get3A_1 = arith.constant 0 : index
    %get3A_2 = vector.load %arg1[%get3A, %get3A_0, %get3A_1] : memref<1x64x128xi32, #tpu.memory_space<vmem>>, vector<1x64x128xi32>
    %get3A_3 = vector.shape_cast %get3A_2 : vector<1x64x128xi32> to vector<64x128xi32>
    %iota3A = tpu.iota {dimensions = array<i32: 2>} : vector<1x1x128xi32>
    %broadcast_in_dim3A = vector.shape_cast %get3A_3 : vector<64x128xi32> to vector<64x128x1xi32>
    %eq3A = vector.broadcast %broadcast_in_dim3A : vector<64x128x1xi32> to vector<64x128x128xi32>
    %eq3A_4 = vector.broadcast %iota3A : vector<1x1x128xi32> to vector<64x128x128xi32>
    %eq3A_5 = arith.cmpi eq, %eq3A, %eq3A_4 : vector<64x128x128xi32>
    %convert_element_type3A = arith.extui %eq3A_5 : vector<64x128x128xi1> to vector<64x128x128xi32>
    %convert_element_type3A_6 = arith.sitofp %convert_element_type3A : vector<64x128x128xi32> to vector<64x128x128xf32>
    %iota3A_7 = tpu.iota {dimensions = array<i32: 0>} : vector<128x128xi32>
    %iota3A_8 = tpu.iota {dimensions = array<i32: 1>} : vector<128x128xi32>
    %lt3A = arith.cmpi slt, %iota3A_8, %iota3A_7 : vector<128x128xi32>
    %convert_element_type3A_9 = arith.extui %lt3A : vector<128x128xi1> to vector<128x128xi32>
    %convert_element_type3A_10 = arith.sitofp %convert_element_type3A_9 : vector<128x128xi32> to vector<128x128xf32>
    %dot_general3A = arith.constant dense<0.000000e+00> : vector<64x128x128xf32>
    %dot_general3A_11 = tpu.matmul %convert_element_type3A_6, %convert_element_type3A_10, %dot_general3A {dimension_numbers = #tpu.dot_dimension_numbers<[1], [1], [0, 2], [0], [0, 0, 0, 2, 1, 0], [], []>, transpose_lhs_hint = false} : vector<64x128x128xf32>, vector<128x128xf32>, vector<64x128x128xf32> -> vector<64x128x128xf32>
    %transpose3A = tpu.transpose %dot_general3A_11, [0, 2, 1] : vector<64x128x128xf32> -> vector<64x128x128xf32>
    %reduce_sum3A = arith.constant dense<0.000000e+00> : vector<64x128xf32>
    %reduce_sum3A_12 = vector.multi_reduction <add>, %convert_element_type3A_6, %reduce_sum3A [1] : vector<64x128x128xf32> to vector<64x128xf32>
    %iota3A_13 = tpu.iota {dimensions = array<i32: 0>} : vector<64x64xi32>
    %iota3A_14 = tpu.iota {dimensions = array<i32: 1>} : vector<64x64xi32>
    %lt3A_15 = arith.cmpi slt, %iota3A_14, %iota3A_13 : vector<64x64xi32>
    %convert_element_type3A_16 = arith.extui %lt3A_15 : vector<64x64xi1> to vector<64x64xi32>
    %convert_element_type3A_17 = arith.sitofp %convert_element_type3A_16 : vector<64x64xi32> to vector<64x64xf32>
    %dot_general3A_18 = arith.constant dense<0.000000e+00> : vector<64x128xf32>
    %dot_general3A_19 = tpu.matmul %convert_element_type3A_17, %reduce_sum3A_12, %dot_general3A_18 {dimension_numbers = #tpu.dot_dimension_numbers<[1], [0], [0], [1], [0, 0, 1, 1], [], []>, transpose_lhs_hint = false} : vector<64x64xf32>, vector<64x128xf32>, vector<64x128xf32> -> vector<64x128xf32>
    %reduce_sum3A_20 = arith.constant dense<0.000000e+00> : vector<128xf32>
    %reduce_sum3A_21 = vector.multi_reduction <add>, %reduce_sum3A_12, %reduce_sum3A_20 [0] : vector<64x128xf32> to vector<128xf32>
    %lt3A_22 = arith.cmpi slt, %iota3A_7, %iota3A_8 : vector<128x128xi32>
    %convert_element_type3A_23 = arith.extui %lt3A_22 : vector<128x128xi1> to vector<128x128xi32>
    %convert_element_type3A_24 = arith.sitofp %convert_element_type3A_23 : vector<128x128xi32> to vector<128x128xf32>
    %broadcast_in_dim3A_25 = vector.shape_cast %reduce_sum3A_21 : vector<128xf32> to vector<1x128xf32>
    %dot_general3A_26 = arith.constant dense<0.000000e+00> : vector<1x128xf32>
    %dot_general3A_27 = tpu.matmul %broadcast_in_dim3A_25, %convert_element_type3A_24, %dot_general3A_26 {dimension_numbers = #tpu.dot_dimension_numbers<[1], [0], [0], [1], [0, 0, 1, 1], [], []>, transpose_lhs_hint = false} : vector<1x128xf32>, vector<128x128xf32>, vector<1x128xf32> -> vector<1x128xf32>
    %broadcast_in_dim3A_28 = vector.shape_cast %dot_general3A_19 : vector<64x128xf32> to vector<64x1x128xf32>
    %add3A = vector.broadcast %broadcast_in_dim3A_28 : vector<64x1x128xf32> to vector<64x128x128xf32>
    %add3A_29 = arith.addf %transpose3A, %add3A : vector<64x128x128xf32>
    %broadcast_in_dim3A_30 = vector.shape_cast %dot_general3A_27 : vector<1x128xf32> to vector<1x1x128xf32>
    %add3A_31 = vector.broadcast %broadcast_in_dim3A_30 : vector<1x1x128xf32> to vector<64x128x128xf32>
    %add3A_32 = arith.addf %add3A_29, %add3A_31 : vector<64x128x128xf32>
    %mul3A = arith.mulf %convert_element_type3A_6, %add3A_32 : vector<64x128x128xf32>
    %reduce_sum3A_33 = arith.constant dense<0.000000e+00> : vector<64x128xf32>
    %reduce_sum3A_34 = vector.multi_reduction <add>, %mul3A, %reduce_sum3A_33 [2] : vector<64x128x128xf32> to vector<64x128xf32>
    %convert_element_type3A_35 = arith.fptosi %reduce_sum3A_34 : vector<64x128xf32> to vector<64x128xi32>
    %swap3A = arith.constant 0 : index
    %swap3A_36 = arith.constant 0 : index
    %swap3A_37 = arith.constant 0 : index
    %swap3A_38 = vector.load %arg2[%swap3A, %swap3A_36, %swap3A_37] : memref<1x64x128xi32, #tpu.memory_space<vmem>>, vector<1x64x128xi32>
    %swap3A_39 = vector.shape_cast %swap3A_38 : vector<1x64x128xi32> to vector<64x128xi32>
    %swap3A_40 = vector.shape_cast %convert_element_type3A_35 : vector<64x128xi32> to vector<1x64x128xi32>
    tpu.vector_store %arg2[%swap3A, %swap3A_36, %swap3A_37], %swap3A_40 {strides = array<i32>} : memref<1x64x128xi32, #tpu.memory_space<vmem>>, vector<1x64x128xi32>,
    return
  }
  func.func @transform_0(%arg0: i32) -> (i32, i32, i32) {
    %c0_i32 = arith.constant 0 : i32
    %c0_i32_0 = arith.constant 0 : i32
    %c0_i32_1 = arith.constant 0 : i32
    return %arg0, %c0_i32, %c0_i32_0 : i32, i32, i32
  }
  func.func @transform_1(%arg0: i32) -> (i32, i32, i32) {
    %c0_i32 = arith.constant 0 : i32
    %c0_i32_0 = arith.constant 0 : i32
    %c0_i32_1 = arith.constant 0 : i32
    return %arg0, %c0_i32, %c0_i32_0 : i32, i32, i32
  }
}

module attributes {stable_mosaic.version = 14 : i64} {
  func.func @_attn_body(%arg0: i32, %arg1: i32, %arg2: memref<1x16x64x128xf32, #tpu.memory_space<vmem>>, %arg3: memref<1x16x64x128xf32, #tpu.memory_space<vmem>>, %arg4: memref<1x16x64xi32, #tpu.memory_space<vmem>>, %arg5: memref<1x16x64xi32, #tpu.memory_space<vmem>>, %arg6: memref<1x16x64xi32, #tpu.memory_space<vmem>>, %arg7: memref<1x16x64xi32, #tpu.memory_space<vmem>>, %arg8: memref<1x16x64x128xf32, #tpu.memory_space<vmem>>) attributes {dimension_semantics = [#tpu.dimension_semantics<arbitrary>, #tpu.dimension_semantics<arbitrary>], iteration_bounds = array<i64: 32, 8>, scalar_prefetch = 0 : i64, scratch_operands = 0 : i64, tpu.core_type = #tpu.core_type<tc>, window_params = [{transform_indices = @transform_0, window_bounds = array<i64: 1, 16, 64, 128>}, {transform_indices = @transform_1, window_bounds = array<i64: 1, 16, 64, 128>}, {transform_indices = @transform_2, window_bounds = array<i64: 1, 16, 64>}, {transform_indices = @transform_3, window_bounds = array<i64: 1, 16, 64>}, {transform_indices = @transform_4, window_bounds = array<i64: 1, 16, 64>}, {transform_indices = @transform_5, window_bounds = array<i64: 1, 16, 64>}, {transform_indices = @transform_6, window_bounds = array<i64: 1, 16, 64, 128>}]} {
    %get3A = arith.constant 0 : index
    %get3A_0 = arith.constant 0 : index
    %get3A_1 = arith.constant 0 : index
    %get3A_2 = arith.constant 0 : index
    %get3A_3 = vector.load %arg2[%get3A, %get3A_0, %get3A_1, %get3A_2] : memref<1x16x64x128xf32, #tpu.memory_space<vmem>>, vector<1x16x64x128xf32>
    %get3A_4 = vector.shape_cast %get3A_3 : vector<1x16x64x128xf32> to vector<16x64x128xf32>
    %get3A_5 = arith.constant 0 : index
    %get3A_6 = arith.constant 0 : index
    %get3A_7 = arith.constant 0 : index
    %get3A_8 = arith.constant 0 : index
    %get3A_9 = vector.load %arg3[%get3A_5, %get3A_6, %get3A_7, %get3A_8] : memref<1x16x64x128xf32, #tpu.memory_space<vmem>>, vector<1x16x64x128xf32>
    %get3A_10 = vector.shape_cast %get3A_9 : vector<1x16x64x128xf32> to vector<16x64x128xf32>
    %slice3A = vector.extract_strided_slice %get3A_4 {offsets = [0, 0, 0], sizes = [16, 64, 64], strides = [1, 1, 1]} : vector<16x64x128xf32> to vector<16x64x64xf32>
    %slice3A_11 = vector.extract_strided_slice %get3A_4 {offsets = [0, 0, 0], sizes = [16, 64, 64], strides = [1, 1, 1]} : vector<16x64x128xf32> to vector<16x64x64xf32>
    %slice3A_12 = vector.extract_strided_slice %get3A_10 {offsets = [0, 0, 0], sizes = [16, 64, 64], strides = [1, 1, 1]} : vector<16x64x128xf32> to vector<16x64x64xf32>
    %concatenate3A = tpu.concatenate %slice3A_11, %slice3A_12 in 1 : vector<16x64x64xf32>, vector<16x64x64xf32> -> vector<16x128x64xf32>
    %mul3A = arith.mulf %concatenate3A, %concatenate3A : vector<16x128x64xf32>
    %reduce_sum3A = arith.constant dense<0.000000e+00> : vector<16x128xf32>
    %reduce_sum3A_13 = vector.multi_reduction <add>, %mul3A, %reduce_sum3A [2] : vector<16x128x64xf32> to vector<16x128xf32>
    %broadcast_in_dim3A = vector.shape_cast %reduce_sum3A_13 : vector<16x128xf32> to vector<16x128x1xf32>
    %sqrt3A = math.sqrt %broadcast_in_dim3A : vector<16x128x1xf32>
    %add3A = arith.constant 9.99999997E-7 : f32
    %add3A_14 = vector.broadcast %add3A : f32 to vector<16x128x1xf32>
    %add3A_15 = arith.addf %sqrt3A, %add3A_14 : vector<16x128x1xf32>
    %div3A = vector.broadcast %add3A_15 : vector<16x128x1xf32> to vector<16x128x64xf32>
    %div3A_16 = arith.divf %concatenate3A, %div3A : vector<16x128x64xf32>
    %slice3A_17 = vector.extract_strided_slice %get3A_4 {offsets = [0, 0, 64], sizes = [16, 64, 64], strides = [1, 1, 1]} : vector<16x64x128xf32> to vector<16x64x64xf32>
    %slice3A_18 = vector.extract_strided_slice %get3A_10 {offsets = [0, 0, 64], sizes = [16, 64, 64], strides = [1, 1, 1]} : vector<16x64x128xf32> to vector<16x64x64xf32>
    %concatenate3A_19 = tpu.concatenate %slice3A_17, %slice3A_18 in 1 : vector<16x64x64xf32>, vector<16x64x64xf32> -> vector<16x128x64xf32>
    %dot_general3A = arith.constant dense<0.000000e+00> : vector<16x64x128xf32>
    %dot_general3A_20 = tpu.matmul %slice3A, %div3A_16, %dot_general3A {dimension_numbers = #tpu.dot_dimension_numbers<[2], [2], [1], [1], [0, 0, 0, 1, 1, 1], [0], [0]>, transpose_lhs_hint = false} : vector<16x64x64xf32>, vector<16x128x64xf32>, vector<16x64x128xf32> -> vector<16x64x128xf32>
    %mul3A_21 = arith.constant 1.250000e-01 : f32
    %mul3A_22 = vector.broadcast %mul3A_21 : f32 to vector<16x64x128xf32>
    %mul3A_23 = arith.mulf %dot_general3A_20, %mul3A_22 : vector<16x64x128xf32>
    %get3A_24 = arith.constant 0 : index
    %get3A_25 = arith.constant 0 : index
    %get3A_26 = arith.constant 0 : index
    %get3A_27 = vector.load %arg4[%get3A_24, %get3A_25, %get3A_26] : memref<1x16x64xi32, #tpu.memory_space<vmem>>, vector<1x16x64xi32>
    %get3A_28 = vector.shape_cast %get3A_27 : vector<1x16x64xi32> to vector<16x64xi32>
    %get3A_29 = arith.constant 0 : index
    %get3A_30 = arith.constant 0 : index
    %get3A_31 = arith.constant 0 : index
    %get3A_32 = vector.load %arg4[%get3A_29, %get3A_30, %get3A_31] : memref<1x16x64xi32, #tpu.memory_space<vmem>>, vector<1x16x64xi32>
    %get3A_33 = vector.shape_cast %get3A_32 : vector<1x16x64xi32> to vector<16x64xi32>
    %get3A_34 = arith.constant 0 : index
    %get3A_35 = arith.constant 0 : index
    %get3A_36 = arith.constant 0 : index
    %get3A_37 = vector.load %arg5[%get3A_34, %get3A_35, %get3A_36] : memref<1x16x64xi32, #tpu.memory_space<vmem>>, vector<1x16x64xi32>
    %get3A_38 = vector.shape_cast %get3A_37 : vector<1x16x64xi32> to vector<16x64xi32>
    %concatenate3A_39 = tpu.concatenate %get3A_33, %get3A_38 in 1 : vector<16x64xi32>, vector<16x64xi32> -> vector<16x128xi32>
    %get3A_40 = arith.constant 0 : index
    %get3A_41 = arith.constant 0 : index
    %get3A_42 = arith.constant 0 : index
    %get3A_43 = vector.load %arg6[%get3A_40, %get3A_41, %get3A_42] : memref<1x16x64xi32, #tpu.memory_space<vmem>>, vector<1x16x64xi32>
    %get3A_44 = vector.shape_cast %get3A_43 : vector<1x16x64xi32> to vector<16x64xi32>
    %get3A_45 = arith.constant 0 : index
    %get3A_46 = arith.constant 0 : index
    %get3A_47 = arith.constant 0 : index
    %get3A_48 = vector.load %arg6[%get3A_45, %get3A_46, %get3A_47] : memref<1x16x64xi32, #tpu.memory_space<vmem>>, vector<1x16x64xi32>
    %get3A_49 = vector.shape_cast %get3A_48 : vector<1x16x64xi32> to vector<16x64xi32>
    %get3A_50 = arith.constant 0 : index
    %get3A_51 = arith.constant 0 : index
    %get3A_52 = arith.constant 0 : index
    %get3A_53 = vector.load %arg7[%get3A_50, %get3A_51, %get3A_52] : memref<1x16x64xi32, #tpu.memory_space<vmem>>, vector<1x16x64xi32>
    %get3A_54 = vector.shape_cast %get3A_53 : vector<1x16x64xi32> to vector<16x64xi32>
    %concatenate3A_55 = tpu.concatenate %get3A_49, %get3A_54 in 1 : vector<16x64xi32>, vector<16x64xi32> -> vector<16x128xi32>
    %broadcast_in_dim3A_56 = vector.shape_cast %get3A_44 : vector<16x64xi32> to vector<16x64x1xi32>
    %broadcast_in_dim3A_57 = vector.shape_cast %concatenate3A_55 : vector<16x128xi32> to vector<16x1x128xi32>
    %ne3A = vector.broadcast %broadcast_in_dim3A_56 : vector<16x64x1xi32> to vector<16x64x128xi32>
    %ne3A_58 = vector.broadcast %broadcast_in_dim3A_57 : vector<16x1x128xi32> to vector<16x64x128xi32>
    %ne3A_59 = arith.cmpi ne, %ne3A, %ne3A_58 : vector<16x64x128xi32>
    %jit3A = arith.constant 0xFF800000 : f32
    %broadcast_in_dim3A_60 = vector.broadcast %jit3A : f32 to vector<16x64x128xf32>
    %select_n3A = arith.select %ne3A_59, %broadcast_in_dim3A_60, %mul3A_23 : vector<16x64x128xi1>, vector<16x64x128xf32>
    %broadcast_in_dim3A_61 = vector.shape_cast %get3A_28 : vector<16x64xi32> to vector<16x64x1xi32>
    %broadcast_in_dim3A_62 = vector.shape_cast %concatenate3A_39 : vector<16x128xi32> to vector<16x1x128xi32>
    %eq3A = vector.broadcast %broadcast_in_dim3A_61 : vector<16x64x1xi32> to vector<16x64x128xi32>
    %eq3A_63 = vector.broadcast %broadcast_in_dim3A_62 : vector<16x1x128xi32> to vector<16x64x128xi32>
    %eq3A_64 = arith.cmpi eq, %eq3A, %eq3A_63 : vector<16x64x128xi32>
    %jit3A_65 = arith.constant -9.99999974E-6 : f32
    %broadcast_in_dim3A_66 = vector.broadcast %jit3A_65 : f32 to vector<16x64x128xf32>
    %select_n3A_67 = arith.select %eq3A_64, %broadcast_in_dim3A_66, %select_n3A : vector<16x64x128xi1>, vector<16x64x128xf32>
    %reduce_max3A = arith.constant dense<0xFF800000> : vector<16x64xf32>
    %reduce_max3A_68 = vector.multi_reduction <maximumf>, %select_n3A_67, %reduce_max3A [2] : vector<16x64x128xf32> to vector<16x64xf32>
    %broadcast_in_dim3A_69 = vector.shape_cast %reduce_max3A_68 : vector<16x64xf32> to vector<16x64x1xf32>
    %sub3A = vector.broadcast %broadcast_in_dim3A_69 : vector<16x64x1xf32> to vector<16x64x128xf32>
    %sub3A_70 = arith.subf %select_n3A_67, %sub3A : vector<16x64x128xf32>
    %exp3A = math.exp %sub3A_70 : vector<16x64x128xf32>
    %reduce_sum3A_71 = arith.constant dense<0.000000e+00> : vector<16x64xf32>
    %reduce_sum3A_72 = vector.multi_reduction <add>, %exp3A, %reduce_sum3A_71 [2] : vector<16x64x128xf32> to vector<16x64xf32>
    %broadcast_in_dim3A_73 = vector.shape_cast %reduce_sum3A_72 : vector<16x64xf32> to vector<16x64x1xf32>
    %log3A = math.log %broadcast_in_dim3A_73 : vector<16x64x1xf32>
    %add3A_74 = arith.addf %broadcast_in_dim3A_69, %log3A : vector<16x64x1xf32>
    %div3A_75 = vector.broadcast %broadcast_in_dim3A_73 : vector<16x64x1xf32> to vector<16x64x128xf32>
    %div3A_76 = arith.divf %exp3A, %div3A_75 : vector<16x64x128xf32>
    %dot_general3A_77 = arith.constant dense<0.000000e+00> : vector<16x64x64xf32>
    %dot_general3A_78 = tpu.matmul %div3A_76, %concatenate3A_19, %dot_general3A_77 {dimension_numbers = #tpu.dot_dimension_numbers<[2], [1], [1], [2], [0, 0, 0, 1, 1, 2], [0], [0]>, transpose_lhs_hint = false} : vector<16x64x128xf32>, vector<16x128x64xf32>, vector<16x64x64xf32> -> vector<16x64x64xf32>
    %broadcast_in_dim3A_79 = vector.shape_cast %add3A_74 : vector<16x64x1xf32> to vector<16x64x1xf32>
    %broadcast_in_dim3A_80 = vector.broadcast %broadcast_in_dim3A_79 : vector<16x64x1xf32> to vector<16x64x64xf32>
    %concatenate3A_81 = tpu.concatenate %dot_general3A_78, %broadcast_in_dim3A_80 in 2 : vector<16x64x64xf32>, vector<16x64x64xf32> -> vector<16x64x128xf32>
    %swap3A = arith.constant 0 : index
    %swap3A_82 = arith.constant 0 : index
    %swap3A_83 = arith.constant 0 : index
    %swap3A_84 = arith.constant 0 : index
    %swap3A_85 = vector.load %arg8[%swap3A, %swap3A_82, %swap3A_83, %swap3A_84] : memref<1x16x64x128xf32, #tpu.memory_space<vmem>>, vector<1x16x64x128xf32>
    %swap3A_86 = vector.shape_cast %swap3A_85 : vector<1x16x64x128xf32> to vector<16x64x128xf32>
    %swap3A_87 = vector.shape_cast %concatenate3A_81 : vector<16x64x128xf32> to vector<1x16x64x128xf32>
    tpu.vector_store %arg8[%swap3A, %swap3A_82, %swap3A_83, %swap3A_84], %swap3A_87 {strides = array<i32>} : memref<1x16x64x128xf32, #tpu.memory_space<vmem>>, vector<1x16x64x128xf32>,
    return
  }
  func.func @transform_0(%arg0: i32, %arg1: i32) -> (i32, i32, i32, i32) {
    %c0_i32 = arith.constant 0 : i32
    %c0_i32_0 = arith.constant 0 : i32
    %c0_i32_1 = arith.constant 0 : i32
    return %arg0, %arg1, %c0_i32, %c0_i32_0 : i32, i32, i32, i32
  }
  func.func @transform_1(%arg0: i32, %arg1: i32) -> (i32, i32, i32, i32) {
    %c0_i32 = arith.constant 0 : i32
    %c0_i32_0 = arith.constant 0 : i32
    %c0_i32_1 = arith.constant 0 : i32
    return %arg0, %arg1, %c0_i32, %c0_i32_0 : i32, i32, i32, i32
  }
  func.func @transform_2(%arg0: i32, %arg1: i32) -> (i32, i32, i32) {
    %c0_i32 = arith.constant 0 : i32
    %c0_i32_0 = arith.constant 0 : i32
    return %arg0, %arg1, %c0_i32 : i32, i32, i32
  }
  func.func @transform_3(%arg0: i32, %arg1: i32) -> (i32, i32, i32) {
    %c0_i32 = arith.constant 0 : i32
    %c0_i32_0 = arith.constant 0 : i32
    return %arg0, %arg1, %c0_i32 : i32, i32, i32
  }
  func.func @transform_4(%arg0: i32, %arg1: i32) -> (i32, i32, i32) {
    %c0_i32 = arith.constant 0 : i32
    %c0_i32_0 = arith.constant 0 : i32
    return %arg0, %arg1, %c0_i32 : i32, i32, i32
  }
  func.func @transform_5(%arg0: i32, %arg1: i32) -> (i32, i32, i32) {
    %c0_i32 = arith.constant 0 : i32
    %c0_i32_0 = arith.constant 0 : i32
    return %arg0, %arg1, %c0_i32 : i32, i32, i32
  }
  func.func @transform_6(%arg0: i32, %arg1: i32) -> (i32, i32, i32, i32) {
    %c0_i32 = arith.constant 0 : i32
    %c0_i32_0 = arith.constant 0 : i32
    %c0_i32_1 = arith.constant 0 : i32
    return %arg0, %arg1, %c0_i32, %c0_i32_0 : i32, i32, i32, i32
  }
}

module attributes {stable_mosaic.version = 14 : i64} {
  func.func @_combine_body(%arg0: i32, %arg1: i32, %arg2: memref<1x4x256x128xf32, #tpu.memory_space<vmem>>, %arg3: memref<1x1x256x64xf32, #tpu.memory_space<vmem>>) attributes {dimension_semantics = [#tpu.dimension_semantics<arbitrary>, #tpu.dimension_semantics<arbitrary>], iteration_bounds = array<i64: 32, 8>, scalar_prefetch = 0 : i64, scratch_operands = 0 : i64, tpu.core_type = #tpu.core_type<tc>, window_params = [{transform_indices = @transform_0, window_bounds = array<i64: 1, 4, 256, 128>}, {transform_indices = @transform_1, window_bounds = array<i64: 1, 1, 256, 64>}]} {
    %get3A = arith.constant 0 : index
    %get3A_0 = arith.constant 0 : index
    %get3A_1 = arith.constant 0 : index
    %get3A_2 = arith.constant 0 : index
    %get3A_3 = vector.load %arg2[%get3A, %get3A_0, %get3A_1, %get3A_2] : memref<1x4x256x128xf32, #tpu.memory_space<vmem>>, vector<1x4x256x128xf32>
    %get3A_4 = vector.shape_cast %get3A_3 : vector<1x4x256x128xf32> to vector<4x256x128xf32>
    %slice3A = vector.extract_strided_slice %get3A_4 {offsets = [0, 0, 0], sizes = [4, 256, 64], strides = [1, 1, 1]} : vector<4x256x128xf32> to vector<4x256x64xf32>
    %slice3A_5 = vector.extract_strided_slice %get3A_4 {offsets = [0, 0, 64], sizes = [4, 256, 1], strides = [1, 1, 1]} : vector<4x256x128xf32> to vector<4x256x1xf32>
    %reduce_max3A = arith.constant dense<0xFF800000> : vector<256x1xf32>
    %reduce_max3A_6 = vector.multi_reduction <maximumf>, %slice3A_5, %reduce_max3A [0] : vector<4x256x1xf32> to vector<256x1xf32>
    %broadcast_in_dim3A = vector.shape_cast %reduce_max3A_6 : vector<256x1xf32> to vector<1x256x1xf32>
    %sub3A = vector.broadcast %broadcast_in_dim3A : vector<1x256x1xf32> to vector<4x256x1xf32>
    %sub3A_7 = arith.subf %slice3A_5, %sub3A : vector<4x256x1xf32>
    %exp3A = math.exp %sub3A_7 : vector<4x256x1xf32>
    %reduce_sum3A = arith.constant dense<0.000000e+00> : vector<256x1xf32>
    %reduce_sum3A_8 = vector.multi_reduction <add>, %exp3A, %reduce_sum3A [0] : vector<4x256x1xf32> to vector<256x1xf32>
    %broadcast_in_dim3A_9 = vector.shape_cast %reduce_sum3A_8 : vector<256x1xf32> to vector<1x256x1xf32>
    %div3A = vector.broadcast %broadcast_in_dim3A_9 : vector<1x256x1xf32> to vector<4x256x1xf32>
    %div3A_10 = arith.divf %exp3A, %div3A : vector<4x256x1xf32>
    %mul3A = vector.broadcast %div3A_10 : vector<4x256x1xf32> to vector<4x256x64xf32>
    %mul3A_11 = arith.mulf %slice3A, %mul3A : vector<4x256x64xf32>
    %reduce_sum3A_12 = arith.constant dense<0.000000e+00> : vector<256x64xf32>
    %reduce_sum3A_13 = vector.multi_reduction <add>, %mul3A_11, %reduce_sum3A_12 [0] : vector<4x256x64xf32> to vector<256x64xf32>
    %swap3A = arith.constant 0 : index
    %swap3A_14 = arith.constant 0 : index
    %swap3A_15 = arith.constant 0 : index
    %swap3A_16 = arith.constant 0 : index
    %swap3A_17 = vector.load %arg3[%swap3A, %swap3A_14, %swap3A_15, %swap3A_16] : memref<1x1x256x64xf32, #tpu.memory_space<vmem>>, vector<1x1x256x64xf32>
    %swap3A_18 = vector.shape_cast %swap3A_17 : vector<1x1x256x64xf32> to vector<256x64xf32>
    %swap3A_19 = vector.shape_cast %reduce_sum3A_13 : vector<256x64xf32> to vector<1x1x256x64xf32>
    tpu.vector_store %arg3[%swap3A, %swap3A_14, %swap3A_15, %swap3A_16], %swap3A_19 {strides = array<i32>} : memref<1x1x256x64xf32, #tpu.memory_space<vmem>>, vector<1x1x256x64xf32>,
    return
  }
  func.func @transform_0(%arg0: i32, %arg1: i32) -> (i32, i32, i32, i32) {
    %c0_i32 = arith.constant 0 : i32
    %c0_i32_0 = arith.constant 0 : i32
    %c0_i32_1 = arith.constant 0 : i32
    return %arg0, %c0_i32, %arg1, %c0_i32_0 : i32, i32, i32, i32
  }
  func.func @transform_1(%arg0: i32, %arg1: i32) -> (i32, i32, i32, i32) {
    %jit3A = arith.constant 2 : i32
    %div3A = arith.divsi %arg0, %jit3A : i32
    %sign3A = arith.constant 0 : i32
    %sign3A_0 = arith.cmpi sgt, %arg0, %sign3A : i32
    %sign3A_1 = arith.extui %sign3A_0 : i1 to i32
    %sign3A_2 = arith.constant 0 : i32
    %sign3A_3 = arith.cmpi slt, %arg0, %sign3A_2 : i32
    %sign3A_4 = arith.extui %sign3A_3 : i1 to i32
    %sign3A_5 = arith.subi %sign3A_1, %sign3A_4 : i32
    %sign3A_6 = arith.constant 0 : i32
    %sign3A_7 = arith.cmpi sgt, %jit3A, %sign3A_6 : i32
    %sign3A_8 = arith.extui %sign3A_7 : i1 to i32
    %sign3A_9 = arith.constant 0 : i32
    %sign3A_10 = arith.cmpi slt, %jit3A, %sign3A_9 : i32
    %sign3A_11 = arith.extui %sign3A_10 : i1 to i32
    %sign3A_12 = arith.subi %sign3A_8, %sign3A_11 : i32
    %ne3A = arith.cmpi ne, %sign3A_5, %sign3A_12 : i32
    %rem3A = arith.remsi %arg0, %jit3A : i32
    %ne3A_13 = arith.constant 0 : i32
    %ne3A_14 = arith.cmpi ne, %rem3A, %ne3A_13 : i32
    %and3A = arith.andi %ne3A, %ne3A_14 : i1
    %sub3A = arith.constant 1 : i32
    %sub3A_15 = arith.subi %div3A, %sub3A : i32
    %select_n3A = arith.select %and3A, %sub3A_15, %div3A : i32
    %jit3A_16 = arith.constant 2 : i32
    %eq3A = arith.constant 0 : i32
    %eq3A_17 = arith.cmpi eq, %jit3A_16, %eq3A : i32
    %jit3A_18 = arith.constant 1 : i32
    %select_n3A_19 = arith.select %eq3A_17, %jit3A_18, %jit3A_16 : i32
    %rem3A_20 = arith.remsi %arg0, %select_n3A_19 : i32
    %ne3A_21 = arith.constant 0 : i32
    %ne3A_22 = arith.cmpi ne, %rem3A_20, %ne3A_21 : i32
    %lt3A = arith.constant 0 : i32
    %lt3A_23 = arith.cmpi slt, %rem3A_20, %lt3A : i32
    %lt3A_24 = arith.constant 0 : i32
    %lt3A_25 = arith.cmpi slt, %select_n3A_19, %lt3A_24 : i32
    %ne3A_26 = arith.xori %lt3A_23, %lt3A_25 : i1
    %and3A_27 = arith.andi %ne3A_26, %ne3A_22 : i1
    %add3A = arith.addi %rem3A_20, %select_n3A_19 : i32
    %select_n3A_28 = arith.select %and3A_27, %add3A, %rem3A_20 : i32
    %c0_i32 = arith.constant 0 : i32
    %c0_i32_29 = arith.constant 0 : i32
    return %select_n3A, %select_n3A_28, %arg1, %c0_i32 : i32, i32, i32, i32
  }
}

module attributes {stable_mosaic.version = 14 : i64} {
  func.func @_ln_body(%arg0: i32, %arg1: i32, %arg2: memref<1x256x1024xf32, #tpu.memory_space<vmem>>, %arg3: memref<1024xf32, #tpu.memory_space<vmem>>, %arg4: memref<1024xf32, #tpu.memory_space<vmem>>, %arg5: memref<1x256x1024xf32, #tpu.memory_space<vmem>>) attributes {dimension_semantics = [#tpu.dimension_semantics<arbitrary>, #tpu.dimension_semantics<arbitrary>], iteration_bounds = array<i64: 2, 8>, scalar_prefetch = 0 : i64, scratch_operands = 0 : i64, tpu.core_type = #tpu.core_type<tc>, window_params = [{transform_indices = @transform_0, window_bounds = array<i64: 1, 256, 1024>}, {pipeline_mode = #tpu.pipeline_mode<synchronous>, transform_indices = @transform_1, window_bounds = array<i64: 1024>}, {pipeline_mode = #tpu.pipeline_mode<synchronous>, transform_indices = @transform_2, window_bounds = array<i64: 1024>}, {transform_indices = @transform_3, window_bounds = array<i64: 1, 256, 1024>}]} {
    %get3A = arith.constant 0 : index
    %get3A_0 = arith.constant 0 : index
    %get3A_1 = arith.constant 0 : index
    %get3A_2 = vector.load %arg2[%get3A, %get3A_0, %get3A_1] : memref<1x256x1024xf32, #tpu.memory_space<vmem>>, vector<1x256x1024xf32>
    %get3A_3 = vector.shape_cast %get3A_2 : vector<1x256x1024xf32> to vector<256x1024xf32>
    %reduce_sum3A = arith.constant dense<0.000000e+00> : vector<256xf32>
    %reduce_sum3A_4 = vector.multi_reduction <add>, %get3A_3, %reduce_sum3A [1] : vector<256x1024xf32> to vector<256xf32>
    %broadcast_in_dim3A = vector.shape_cast %reduce_sum3A_4 : vector<256xf32> to vector<256x1xf32>
    %div3A = arith.constant 1.024000e+03 : f32
    %div3A_5 = vector.broadcast %div3A : f32 to vector<256x1xf32>
    %div3A_6 = arith.divf %broadcast_in_dim3A, %div3A_5 : vector<256x1xf32>
    %sub3A = vector.broadcast %div3A_6 : vector<256x1xf32> to vector<256x1024xf32>
    %sub3A_7 = arith.subf %get3A_3, %sub3A : vector<256x1024xf32>
    %mul3A = arith.mulf %sub3A_7, %sub3A_7 : vector<256x1024xf32>
    %reduce_sum3A_8 = arith.constant dense<0.000000e+00> : vector<256xf32>
    %reduce_sum3A_9 = vector.multi_reduction <add>, %mul3A, %reduce_sum3A_8 [1] : vector<256x1024xf32> to vector<256xf32>
    %broadcast_in_dim3A_10 = vector.shape_cast %reduce_sum3A_9 : vector<256xf32> to vector<256x1xf32>
    %div3A_11 = arith.constant 1.024000e+03 : f32
    %div3A_12 = vector.broadcast %div3A_11 : f32 to vector<256x1xf32>
    %div3A_13 = arith.divf %broadcast_in_dim3A_10, %div3A_12 : vector<256x1xf32>
    %add3A = arith.constant 1.000000e-03 : f32
    %add3A_14 = vector.broadcast %add3A : f32 to vector<256x1xf32>
    %add3A_15 = arith.addf %div3A_13, %add3A_14 : vector<256x1xf32>
    %rsqrt3A = math.rsqrt %add3A_15 : vector<256x1xf32>
    %mul3A_16 = vector.broadcast %rsqrt3A : vector<256x1xf32> to vector<256x1024xf32>
    %mul3A_17 = arith.mulf %sub3A_7, %mul3A_16 : vector<256x1024xf32>
    %get3A_18 = arith.constant 0 : index
    %get3A_19 = vector.load %arg3[%get3A_18] : memref<1024xf32, #tpu.memory_space<vmem>>, vector<1024xf32>
    %broadcast_in_dim3A_20 = vector.shape_cast %get3A_19 : vector<1024xf32> to vector<1x1024xf32>
    %mul3A_21 = vector.broadcast %broadcast_in_dim3A_20 : vector<1x1024xf32> to vector<256x1024xf32>
    %mul3A_22 = arith.mulf %mul3A_17, %mul3A_21 : vector<256x1024xf32>
    %get3A_23 = arith.constant 0 : index
    %get3A_24 = vector.load %arg4[%get3A_23] : memref<1024xf32, #tpu.memory_space<vmem>>, vector<1024xf32>
    %broadcast_in_dim3A_25 = vector.shape_cast %get3A_24 : vector<1024xf32> to vector<1x1024xf32>
    %add3A_26 = vector.broadcast %broadcast_in_dim3A_25 : vector<1x1024xf32> to vector<256x1024xf32>
    %add3A_27 = arith.addf %mul3A_22, %add3A_26 : vector<256x1024xf32>
    %swap3A = arith.constant 0 : index
    %swap3A_28 = arith.constant 0 : index
    %swap3A_29 = arith.constant 0 : index
    %swap3A_30 = vector.load %arg5[%swap3A, %swap3A_28, %swap3A_29] : memref<1x256x1024xf32, #tpu.memory_space<vmem>>, vector<1x256x1024xf32>
    %swap3A_31 = vector.shape_cast %swap3A_30 : vector<1x256x1024xf32> to vector<256x1024xf32>
    %swap3A_32 = vector.shape_cast %add3A_27 : vector<256x1024xf32> to vector<1x256x1024xf32>
    tpu.vector_store %arg5[%swap3A, %swap3A_28, %swap3A_29], %swap3A_32 {strides = array<i32>} : memref<1x256x1024xf32, #tpu.memory_space<vmem>>, vector<1x256x1024xf32>,
    return
  }
  func.func @transform_0(%arg0: i32, %arg1: i32) -> (i32, i32, i32) {
    %c0_i32 = arith.constant 0 : i32
    %c0_i32_0 = arith.constant 0 : i32
    return %arg0, %arg1, %c0_i32 : i32, i32, i32
  }
  func.func @transform_1(%arg0: i32, %arg1: i32) -> i32 {
    %c0_i32 = arith.constant 0 : i32
    %c0_i32_0 = arith.constant 0 : i32
    return %c0_i32 : i32
  }
  func.func @transform_2(%arg0: i32, %arg1: i32) -> i32 {
    %c0_i32 = arith.constant 0 : i32
    %c0_i32_0 = arith.constant 0 : i32
    return %c0_i32 : i32
  }
  func.func @transform_3(%arg0: i32, %arg1: i32) -> (i32, i32, i32) {
    %c0_i32 = arith.constant 0 : i32
    %c0_i32_0 = arith.constant 0 : i32
    return %arg0, %arg1, %c0_i32 : i32, i32, i32
  }
}

</mosaic_0001>

<sc_bundles>
// kernel: kernel.12.cloned.1.call-start
scs
__scs_entry_jumppad:
0x0: {  	(pc) =	sbr.rel $0x88, $3  }
0x1: {  	(tag) =	ssettag $0x0;
	lr =	simm.s32 $0x1  }
0x2: {  	[smem:$0x3F9A] =	sst lr;
	_ =	strace $0xD0000000  }
0x3: {  	_ = 	snop  }
0x4: {  	_ = 	snop  }
0x5: {  	_ = 	snop  }
0x6: {  	_ = 	snop  }
0x7: {  	_ = 	snop  }
__scs_overlays_trampoline_lowered:
0x8: {  	[smem:$0x3FA9] =	sst s0  }
0x9: {  	[smem:$0x3FAA] =	sst s1  }
0xa: {  	[smem:$0x3FAB] =	sst s2  }
0xb: {  	[smem:$0x3FAC] =	sst s3  }
0xc: {  	[smem:$0x3FAD] =	sst s4  }
0xd: {  	[smem:$0x3FAE] =	sst s5  }
0xe: {  	[smem:$0x3FAF] =	sst s6  }
0xf: {  	[smem:$0x3FB0] =	sst s7  }
0x10: {  	[smem:$0x3FB1] =	sst s8  }
0x11: {  	[smem:$0x3FB2] =	sst s9;
	s0 =	simm.s32 @!p0 $0x0  }
0x12: {  	s1 =	sld [smem:$0x3F98];
	s0 =	simm.s32 @p0 $0x1  }
0x13: {  	[smem:$0x3FB3] =	sst s0;
	s0 =	simm.s32 @!p1 $0x0  }
0x14: {  	s2 =	sld [smem:$0x3F97];
	s0 =	simm.s32 @p1 $0x1  }
0x15: {  	[smem:$0x3FB4] =	sst s0;
	s0 =	simm.s32 @!p2 $0x0  }
0x16: {  	s3 =	sld [smem:$0x3FDB];
	s0 =	simm.s32 @p2 $0x1  }
0x17: {  	s4 =	simm.s32 $0x1BF5;
	[smem:$0x3FB6] =	sst s0  }
0x18: {  	s0 =	sld [smem:$0x3F99];
	_ =	swait.ge [sflag:s4], $0x0  }
0x19: {  	s7 =	sld [smem:$0x3F9A]  }
0x1a: {  	s8 =	sadd.s32 $0xFFFFE003, lr  }
0x1b: {  	s9 =	sadd.s32 $0xFFFFFEF7, lr;
	s5 =	simm.s32 $0xFFFFFFFF;
	p2 =	slt.u32 s8, $0xFFFFF086  }
0x1c: {  	p1 =	slt.u32 s9, $0xF7A;
	s5 =	simm.s32 @!p2 $0x0  }
0x1d: {  	s5 =	simm.s32 @p1 $0x1;
	p0 =	seq.s32 s7, s2  }
0x1e: {  	s7 =	smul.u32 @!p0 $0xF7A, s2;
	p2 =	seq.s32 @!p0 s5, $0x0  }
0x1f: {  	s9 =	smul.u32 $0xF7A, s1;
	s8 =	simm.s32 @!p0 $0x1BF5;
	p2 =	por !p2, p0  }
0x20: {  	[sflag:s8] =	ssyncset.s32 @!p0 $0xFFFFF086;
	s6 =	sadd.s32 @!p0 s3, s7;
	s7 =	simm.s32 @!p0 $0x108  }
0x21: {  	s3 =	sadd.s32 s3, s9;
	s6 =	sadd.s32 @!p0 $0x88, s6;
	s7 =	simm.s32 @p2 $0x1082  }
0x22: {  	[simem:s7], [sflag:s8] =	dma.local @!p0 [hbm:s6], $0xF7A  }
0x23: {  	s9 =	sor.u32 $0xD0000000, s2;
	s6 =	simm.s32 $0x108;
	_ =	swait.ge @!p0 [sflag:s8], $0x0  }
0x24: {  	s3 =	sadd.s32 $0x88, s3;
	s6 =	simm.s32 @!p1 $0x1082;
	[sflag:s4] =	ssyncset.s32 $0xFFFFF086  }
0x25: {  	[simem:s6], [sflag:s4] =	dma.local [hbm:s3], $0xF7A  }
0x26: {  	[smem:$0x3F9A] =	sst s1;
	(tag) =	ssettag s2;
	_ =	strace s9  }
0x27: {  	s1 =	sld [smem:$0x3FAA]  }
0x28: {  	s2 =	sld [smem:$0x3FAB]  }
0x29: {  	s4 =	sld [smem:$0x3FAD]  }
0x2a: {  	p0 =	seq.s32 s5, $0x0;
	s5 =	sld [smem:$0x3FAE]  }
0x2b: {  	s6 =	sld [smem:$0x3FAF]  }
0x2c: {  	s7 =	sld [smem:$0x3FB0]  }
0x2d: {  	s3 =	simm.s32 $0x108;
	s8 =	sld [smem:$0x3FB1]  }
0x2e: {  	s3 =	simm.s32 @!p0 $0x1082;
	s9 =	sld [smem:$0x3FB2]  }
0x2f: {  	lr =	sadd.s32 s0, s3;
	s0 =	sld [smem:$0x3FA9]  }
0x30: {  	s3 =	sld [smem:$0x3FAC]  }
0x31: {  	[smem:$0x3FB5] =	sst s10  }
0x32: {  	s10 =	sld [smem:$0x3FB3];
	_ =	sdelay $0x3  }
0x33: {  	p0 =	seq.s32 s10, $0x1;
	s10 =	sld [smem:$0x3FB5];
	_ =	sdelay $0x3  }
0x34: {  	[smem:$0x3FB5] =	sst s10  }
0x35: {  	s10 =	sld [smem:$0x3FB4];
	_ =	sdelay $0x3  }
0x36: {  	p1 =	seq.s32 s10, $0x1;
	s10 =	sld [smem:$0x3FB5];
	_ =	sdelay $0x3  }
0x37: {  	[smem:$0x3FB5] =	sst s10  }
0x38: {  	s10 =	sld [smem:$0x3FB6]  }
0x39: {  	_ = 	snop;
	(pc) =	sbr.ind lr, $3  }
0x3a: {  	_ = 	snop  }
0x3b: {  	_ = 	snop  }
0x3c: {  	p2 =	seq.s32 s10, $0x1;
	s10 =	sld [smem:$0x3FB5]  }
0x3d: {  	_ =	shalt  }
0x3e: {  	_ =	shalt  }
0x3f: {  	_ =	shalt  }
0x40: {  	_ =	shalt  }
0x41: {  	_ =	shalt  }
0x42: {  	_ =	shalt  }
0x43: {  	_ =	shalt  }
0x44: {  	_ =	shalt  }
0x45: {  	_ =	shalt  }
0x46: {  	_ =	shalt  }
0x47: {  	_ =	shalt  }
0x48: {  	_ =	shalt  }
0x49: {  	_ =	shalt  }
0x4a: {  	_ =	shalt  }
0x4b: {  	_ =	shalt  }
0x4c: {  	_ =	shalt  }
0x4d: {  	_ =	shalt  }
0x4e: {  	_ =	shalt  }
0x4f: {  	_ =	shalt  }
0x50: {  	_ =	shalt  }
0x51: {  	_ =	shalt  }
0x52: {  	_ =	shalt  }
0x53: {  	_ =	shalt  }
0x54: {  	_ =	shalt  }
0x55: {  	_ =	shalt  }
0x56: {  	_ =	shalt  }
0x57: {  	_ =	shalt  }
0x58: {  	_ =	shalt  }
0x59: {  	_ =	shalt  }
0x5a: {  	_ =	shalt  }
0x5b: {  	_ =	shalt  }
0x5c: {  	_ =	shalt  }
0x5d: {  	_ =	shalt  }
0x5e: {  	_ =	shalt  }
0x5f: {  	_ =	shalt  }
0x60: {  	_ =	shalt  }
0x61: {  	_ =	shalt  }
0x62: {  	_ =	shalt  }
0x63: {  	_ =	shalt  }
0x64: {  	_ =	shalt  }
0x65: {  	_ =	shalt  }
0x66: {  	_ =	shalt  }
0x67: {  	_ =	shalt  }
0x68: {  	_ =	shalt  }
0x69: {  	_ =	shalt  }
0x6a: {  	_ =	shalt  }
0x6b: {  	_ =	shalt  }
0x6c: {  	_ =	shalt  }
0x6d: {  	_ =	shalt  }
0x6e: {  	_ =	shalt  }
0x6f: {  	_ =	shalt  }
0x70: {  	_ =	shalt  }
0x71: {  	_ =	shalt  }
0x72: {  	_ =	shalt  }
0x73: {  	_ =	shalt  }
0x74: {  	_ =	shalt  }
0x75: {  	_ =	shalt  }
0x76: {  	_ =	shalt  }
0x77: {  	_ =	shalt  }
0x78: {  	_ =	shalt  }
0x79: {  	_ =	shalt  }
0x7a: {  	_ =	shalt  }
0x7b: {  	_ =	shalt  }
0x7c: {  	_ =	shalt  }
0x7d: {  	_ =	shalt  }
0x7e: {  	_ =	shalt  }
0x7f: {  	_ =	shalt  }
0x80: {  	_ =	shalt  }
0x81: {  	_ =	shalt  }
0x82: {  	_ =	shalt  }
0x83: {  	_ =	shalt  }
0x84: {  	_ =	shalt  }
0x85: {  	_ =	shalt  }
0x86: {  	_ =	shalt  }
0x87: {  	_ =	shalt  }
.Lfunc_end0:
.L_simem_size_0:
called_computation.1_lowered:
.L_overlay_start_0:
0x88: {  	s2 =	sld [smem:$0x3FD9]  }
0x89: {  	s3 =	sld [smem:$0x3FFE];
	_ =	sdelay $0x1  }
0x8a: {  	s1 =	srdreg.scid  }
0x8b: {  	s0 =	sand.u32 $0x1, s1  }
0x8c: {  	s17 =	sshll.u32 s0, $0xA;
	s2 =	sadd.s32 s3, s2  }
0x8d: {  	s2 =	sadd.s32 s2, s17  }
0x8e: {  	[smem:$0x3FC1] =	sst s2  }
0x8f: {  	_ = 	snop  }
0x90: {  	s2 =	sld [smem:$0x3FD0];
	(tm) =	ssettm $0x1  }
0x91: {  	s18 =	sld [smem:$0x3FFB];
	_ =	sdelay $0x3  }
0x92: {  	_ =	strace s18  }
0x93: {  	s3 =	sld [smem:$0x3FFC];
	_ =	sdelay $0x3  }
0x94: {  	_ =	strace s3  }
0x95: {  	s3 =	sld [smem:$0x3FFD];
	_ =	sdelay $0x3  }
0x96: {  	_ =	strace s3  }
0x97: {  	_ =	strace $0x8FFFFFFF  }
0x98: {  	s19 =	sld [smem:$0x3FDB];
	_ =	sdelay $0x1  }
0x99: {  	s4 =	simm.s32 $_scs_section_size  }
0x9a: {  	s5 =	simm.s32 $_size__tile_overlayer_lowered;
	s6 =	simm.s32 $_tile_overlayer_lowered  }
0x9b: {  	s22 =	simm.s32 $0x1BFF;
	s21 =	sshll.u32 s6, $0x1;
	s3 =	sadd.s32 s4, s19  }
0x9c: {  	s7 =	simm.s32 $0x0;
	s20 =	sshll.u32 s5, $0x1;
	s5 =	sadd.s32 s21, s3  }
0x9d: {  	[timem:s7], [sflag:s22] =	dma.local [hbm:s5], s20  }
0x9e: {  	_ =	swait.ge [sflag:s22], s20  }
0x9f: {  	s4 =	ssub.s32 $0x0, s20;
	[sflag:s22] =	ssyncset.done $0x0  }
0xa0: {  	[sflag:s22] =	ssyncadd.s32 s4;
	_ =	sdelay $0x1  }
0xa1: {  	s23 =	simm.s32 $0x1B8B  }
0xa2: {  	_ =	swait.ge [sflag:s23], $0x1  }
0xa3: {  	[sflag:s23] =	ssyncset.done $0x0  }
0xa4: {  	s25 =	simm.s32 $0x1B8E;
	s24 =	sld [smem:$0x3FFE];
	[sflag:s23] =	ssyncadd.s32 $0xFFFFFFFF  }
0xa5: {  	s26 =	simm.s32 $execute0_lowered;
	[smem:$0x3FD2] =	sst s25  }
0xa6: {  	s5 =	sshll.u32 s26, $0x1;
	_ =	strace $0x80000049;
	[dreg:$0x1] =	wrdreg $0xFFFFFFFF  }
0xa7: {  	s28 =	simm.s32 $_size_execute0_lowered;
	s3 =	sadd.s32 s3, s5;
	[dreg:$0x0] =	wrdreg $0x0  }
0xa8: {  	s5 =	sshll.u32 s28, $0x1;
	[dreg:$0x2] =	wrdreg s3  }
0xa9: {  	[dreg:$0x3] =	wrdreg s5  }
0xaa: {  	[dreg:$0x4] =	wrdreg $0xC0  }
0xab: {  	_ =	task [dreg:s7], $0x5FFFF  }
0xac: {  	[dreg:$0x1] =	wrdreg $0xFFFFFFFF  }
0xad: {  	[dreg:$0x0] =	wrdreg $0x60  }
0xae: {  	[dreg:$0x2] =	wrdreg s2  }
0xaf: {  	[dreg:$0x3] =	wrdreg s24  }
0xb0: {  	[dreg:$0x4] =	wrdreg $0x9  }
0xb1: {  	_ =	task.clear_ibuf [dreg:s7], $0x5FFFF;
	_ =	strace $0x90000049  }
0xb2: {  	s29 =	simm.s32 $0x9;
	_ =	strace $0x8000004B  }
0xb3: {  	_ =	swait.ge [sflag:s29], $0x1  }
0xb4: {  	[sflag:s29] =	ssyncadd.s32 $0xFFFFFFFF  }
0xb5: {  	_ =	strace $0x9000004B  }
0xb6: {  	_ =	sfence  }
0xb7: {  	s30 =	sld [smem:$0x0];
	_ =	sdelay $0x2  }
0xb8: {  	s31 =	sshll.u32 s1, $0xD;
	s1 =	sshrl.u32 s1, $0x2  }
0xb9: {  	s3 =	sand.u32 $0x4000, s31;
	s1 =	sadd.s32 s1, s30  }
0xba: {  	s0 =	sor.u32 s3, s0;
	s1 =	sshll.u32 s1, $0x11  }
0xbb: {  	s0 =	sor.u32 s1, s0  }
0xbc: {  	s0 =	sadd.s32 $0x8F2B, s0  }
0xbd: {  	[sflag:s0] =	ssyncadd.remote.s32 $0x1  }
0xbe: {  	_ =	sfence.sel $0xFFFF  }
0xbf: {  	[dreg:$0x0] =	wrdreg $0xFFFFFFFF;
	(pc) =	sbr.abs _section_cstart, $3  }
0xc0: {  	[dreg:$0x1] =	wrdreg $0xFFFFFFFF  }
0xc1: {  	_ =	task.clear_ibuf [dreg:s7], $0x2FFFF;
	_ =	strace $0x9FFFFFFF  }
0xc2: {  	(tm) =	ssettm $0x7FFFFFFF  }
0xc3: {  	_ =	shalt  }
tec
execute0_lowered:
.L_overlay_start_1:
0x0: {  	(tag) =	ssettag $0x1  }
0x1: {  	s4 =	rddreg [dreg:$0x0]  }
0x2: {  	s5 =	rddreg [dreg:$0x1]  }
0x3: {  	s0 =	rddreg [dreg:$0x2]  }
0x4: {  	s2 =	simm.s32 $0x0;
	s1 =	stileid.u32;
	s7 =	srdreg.scid  }
0x5: {  	s12 =	simm.s32 $0x0;
	[smem:$0x7FF] =	sst s2;
	s6 =	sshll.u32 s1, $0x12  }
0x6: {  	s3 =	sadd.s32 $0xD11C00, s5;
	s31 =	sand.u32 $0x1, s7;
	s8 =	sshll.u32 s1, $0xE  }
0x7: {  	_ =	strace $0x8000004A;
	s5 =	sadd.s32 s6, s5;
	s7 =	ssub.s32 $0x2, s31  }
0x8: {  	s9 =	sshll.u32 s31, $0xD;
	s6 =	sshll.u32 s31, $0x11;
	s10 =	sshrl.u32 s7, $0x1  }
0x9: {  	s11 =	sor.u32 s9, s8;
	s6 =	sadd.s32 s6, s5;
	s9 =	simm.s32 $0x2000  }
0xa: {  	s7 =	ssub.s32 s7, s10;
	s8 =	sshrl.u32 s11, $0x3;
	s6 =	sadd.s32 $0x1C00, s6  }
0xb: {  	v0 =	vmov s11;
	s10 =	simm.s32 $0x2080;
	s11 =	simm.s32 $0x1;
	s4 =	sadd.s32 s4, s8  }
0xc: {  	s5 =	smax.u32 s7, $0x1;
	s7 =	simm.s32 $0x2;
	s8 =	simm.s32 $0x80  }
.LBB2_1:
0xd: {  	[tilespmem:s2], [sflag:$0x2] =	stream.linear.gather [hbm4b:s4+s2], $0x2000, $0x38;
	[tilespmem:$0x6080] =	vst v63  }
0xe: {  	_ =	swait.ge [sflag:s7], $0x2000  }
0xf: {  	[sflag:s7] =	ssyncset.done $0x0  }
0x10: {  	s13 =	simm.s32 $0x40;
	[sflag:s7] =	ssyncadd.s32 $0xFFFFE000  }
0x11: {  	v1 =	vld [tilespmem:s13+$0xFFFFFFC0];
	_ =	sdelay $0x4  }
0x12: {  	v1 =	vadd.s32 v0, v1  }
0x13: {  	[tilespmem:$0x2000] =	vst v1  }
0x14: {  	v1 =	vld [tilespmem:s13+$0xFFFFFFD0];
	_ =	sdelay $0x4  }
0x15: {  	v1 =	vadd.s32 v0, v1  }
0x16: {  	[tilespmem:$0x2010] =	vst v1  }
0x17: {  	v1 =	vld [tilespmem:s13+$0xFFFFFFE0];
	_ =	sdelay $0x4  }
0x18: {  	v1 =	vadd.s32 v0, v1  }
0x19: {  	[tilespmem:$0x2020] =	vst v1  }
0x1a: {  	v1 =	vld [tilespmem:s13+$0xFFFFFFF0];
	_ =	sdelay $0x4  }
0x1b: {  	v1 =	vadd.s32 v0, v1  }
0x1c: {  	[tilespmem:$0x2030] =	vst v1  }
0x1d: {  	v1 =	vld [tilespmem:s13+$0x0];
	_ =	sdelay $0x4  }
0x1e: {  	v1 =	vadd.s32 v0, v1  }
0x1f: {  	[tilespmem:$0x2040] =	vst v1  }
0x20: {  	v1 =	vld [tilespmem:s13+$0x10];
	_ =	sdelay $0x4  }
0x21: {  	v1 =	vadd.s32 v0, v1  }
0x22: {  	[tilespmem:$0x2050] =	vst v1  }
0x23: {  	v1 =	vld [tilespmem:s13+$0x20];
	_ =	sdelay $0x4  }
0x24: {  	v1 =	vadd.s32 v0, v1  }
0x25: {  	[tilespmem:$0x2060] =	vst v1  }
0x26: {  	v1 =	vld [tilespmem:s13+$0x30];
	_ =	sdelay $0x4  }
0x27: {  	v1 =	vadd.s32 v0, v1  }
0x28: {  	[tilespmem:$0x2070] =	vst v1  }
0x29: {  	[tilespmem:s10], [sflag:$0x1] =	stream.indirect.gather [hbm4b:s3+s8], $0x80, s9, s8, $0xb8;
	[tilespmem:$0x6080] =	vst v63  }
0x2a: {  	_ =	swait.ge [sflag:s11], $0x4000  }
0x2b: {  	[sflag:s11] =	ssyncset.done $0x0  }
0x2c: {  	s14 =	sadd.s32 $0x0, s6;
	[sflag:s11] =	ssyncadd.s32 $0xFFFFC000  }
0x2d: {  	[hbm4b:s14+s2] =	stream.linear.scatter [tilespmem:s10], [sflag:$0x2], $0x4000, $0x38;
	[tilespmem:$0x6080] =	vst v63  }
0x2e: {  	_ =	swait.ge [sflag:s7], $0x4000  }
0x2f: {  	s14 =	simm.s32 $0x800;
	[sflag:s7] =	ssyncset.done $0x0  }
.LBB2_2:
0x30: {  	p0 =	sne.s32 s14, $0x1F800;
	[sflag:s7] =	ssyncadd.s32 $0xFFFFC000;
	s13 =	sadd.s32 $0x80, s13  }
0x31: {  	s15 =	smov.u32 s14;
	s14 =	sadd.s32 $0x800, s14;
	v1 =	vld [tilespmem:s13+$0xFFFFFFC0];
	_ =	sdelay $0x4  }
0x32: {  	v1 =	vadd.s32 v0, v1  }
0x33: {  	[tilespmem:$0x2000] =	vst v1  }
0x34: {  	v1 =	vld [tilespmem:s13+$0xFFFFFFD0];
	_ =	sdelay $0x4  }
0x35: {  	v1 =	vadd.s32 v0, v1  }
0x36: {  	[tilespmem:$0x2010] =	vst v1  }
0x37: {  	v1 =	vld [tilespmem:s13+$0xFFFFFFE0];
	_ =	sdelay $0x4  }
0x38: {  	v1 =	vadd.s32 v0, v1  }
0x39: {  	[tilespmem:$0x2020] =	vst v1  }
0x3a: {  	v1 =	vld [tilespmem:s13+$0xFFFFFFF0];
	_ =	sdelay $0x4  }
0x3b: {  	v1 =	vadd.s32 v0, v1  }
0x3c: {  	[tilespmem:$0x2030] =	vst v1  }
0x3d: {  	v1 =	vld [tilespmem:s13+$0x0];
	_ =	sdelay $0x4  }
0x3e: {  	v1 =	vadd.s32 v0, v1  }
0x3f: {  	[tilespmem:$0x2040] =	vst v1  }
0x40: {  	v1 =	vld [tilespmem:s13+$0x10];
	_ =	sdelay $0x4  }
0x41: {  	v1 =	vadd.s32 v0, v1  }
0x42: {  	[tilespmem:$0x2050] =	vst v1  }
0x43: {  	v1 =	vld [tilespmem:s13+$0x20];
	_ =	sdelay $0x4  }
0x44: {  	v1 =	vadd.s32 v0, v1  }
0x45: {  	[tilespmem:$0x2060] =	vst v1  }
0x46: {  	v1 =	vld [tilespmem:s13+$0x30];
	_ =	sdelay $0x4  }
0x47: {  	v1 =	vadd.s32 v0, v1  }
0x48: {  	[tilespmem:$0x2070] =	vst v1  }
0x49: {  	[tilespmem:s10], [sflag:$0x1] =	stream.indirect.gather [hbm4b:s3+s8], $0x80, s9, s8, $0xb8;
	[tilespmem:$0x6080] =	vst v63  }
0x4a: {  	_ =	swait.ge [sflag:s11], $0x4000  }
.Ltmp0:
0x4b: {  	[sflag:s11] =	ssyncset.done $0x0;
	(pc) =	sbr.rel @p0 .LBB2_2-.Ltmp0, $4  }
0x4c: {  	s15 =	sadd.s32 s15, s6;
	[sflag:s11] =	ssyncadd.s32 $0xFFFFC000  }
0x4d: {  	[hbm4b:s15+s2] =	stream.linear.scatter [tilespmem:s10], [sflag:$0x2], $0x4000, $0x38;
	[tilespmem:$0x6080] =	vst v63  }
0x4e: {  	_ =	swait.ge [sflag:s7], $0x4000  }
0x4f: {  	[sflag:s7] =	ssyncset.done $0x0  }
0x50: {  	s12 =	sadd.s32 $0x1, s12  }
0x51: {  	p0 =	sne.s32 s12, s5  }
.Ltmp1:
0x52: {  	_ = 	snop;
	(pc) =	sbr.rel @p0 .LBB2_1-.Ltmp1, $2  }
0x53: {  	_ =	sdelay $0x2  }
0x54: {  	[sflag:s7] =	ssyncadd.s32 $0xFFFFC000  }
0x55: {  	_ =	sfence.sel $0x180000  }
0x56: {  	[bflag:$0x0] =	sbarrier.arrive $0xFFFF  }
0x57: {  	p0 =	sne.s32 s1, $0x0;
	_ =	strace $0x9000004A  }
0x58: {  	s0 =	sadd.s32 @!p0 $0x100000, s0;
	[bflag:$0x2] =	sbarrier.arrive $0xFFFF  }
0x59: {  	[sflag:s0] =	ssyncadd.tile.s32 @!p0 $0x1;
	_ =	shalt  }
.Lfunc_end2:
_tile_overlayer_lowered:
.L_overlay_start_2:
0x5a: {  	(tag) =	ssettag $0x2  }
0x5b: {  	s0 =	rddreg [dreg:$0x0];
	s2 =	stileid.u32  }
0x5c: {  	s1 =	rddreg [dreg:$0x1];
	p0 =	sne.s32 s2, $0x0  }
0x5d: {  	s3 =	rddreg [dreg:$0x2];
	[bflag:$0x3] =	sbarrier.arrive $0xFFFF;
	s2 =	simm.s32 @!p0 $0x1C02  }
0x5e: {  	[timem:s3], [sflag:s2] =	dma.local @!p0 [hbm:s0], s1  }
0x5f: {  	s0 =	simm.s32 @!p0 $0x2  }
0x60: {  	_ =	swait.ge @!p0 [sflag:s0], s1  }
0x61: {  	s1 =	ssub.s32 @!p0 $0x0, s1;
	[sflag:s0] =	ssyncset.done @!p0 $0x0  }
0x62: {  	[sflag:s0] =	ssyncadd.s32 @!p0 s1  }
0x63: {  	[bflag:$0x3] =	sbarrier.arrive $0xFFFF  }
0x64: {  	_ =	shalt  }

// kernel: kernel.9.cloned.1.call-start
scs
__scs_entry_jumppad:
0x0: {  	(pc) =	sbr.rel $0x88, $3  }
0x1: {  	(tag) =	ssettag $0x0;
	lr =	simm.s32 $0x1  }
0x2: {  	[smem:$0x3F9A] =	sst lr;
	_ =	strace $0xD0000000  }
0x3: {  	_ = 	snop  }
0x4: {  	_ = 	snop  }
0x5: {  	_ = 	snop  }
0x6: {  	_ = 	snop  }
0x7: {  	_ = 	snop  }
__scs_overlays_trampoline_lowered:
0x8: {  	[smem:$0x3FA9] =	sst s0  }
0x9: {  	[smem:$0x3FAA] =	sst s1  }
0xa: {  	[smem:$0x3FAB] =	sst s2  }
0xb: {  	[smem:$0x3FAC] =	sst s3  }
0xc: {  	[smem:$0x3FAD] =	sst s4  }
0xd: {  	[smem:$0x3FAE] =	sst s5  }
0xe: {  	[smem:$0x3FAF] =	sst s6  }
0xf: {  	[smem:$0x3FB0] =	sst s7  }
0x10: {  	[smem:$0x3FB1] =	sst s8  }
0x11: {  	[smem:$0x3FB2] =	sst s9;
	s0 =	simm.s32 @!p0 $0x0  }
0x12: {  	s1 =	sld [smem:$0x3F98];
	s0 =	simm.s32 @p0 $0x1  }
0x13: {  	[smem:$0x3FB3] =	sst s0;
	s0 =	simm.s32 @!p1 $0x0  }
0x14: {  	s2 =	sld [smem:$0x3F97];
	s0 =	simm.s32 @p1 $0x1  }
0x15: {  	[smem:$0x3FB4] =	sst s0;
	s0 =	simm.s32 @!p2 $0x0  }
0x16: {  	s3 =	sld [smem:$0x3FDB];
	s0 =	simm.s32 @p2 $0x1  }
0x17: {  	s4 =	simm.s32 $0x1BF5;
	[smem:$0x3FB6] =	sst s0  }
0x18: {  	s0 =	sld [smem:$0x3F99];
	_ =	swait.ge [sflag:s4], $0x0  }
0x19: {  	s7 =	sld [smem:$0x3F9A]  }
0x1a: {  	s8 =	sadd.s32 $0xFFFFE003, lr  }
0x1b: {  	s9 =	sadd.s32 $0xFFFFFEF7, lr;
	s5 =	simm.s32 $0xFFFFFFFF;
	p2 =	slt.u32 s8, $0xFFFFF086  }
0x1c: {  	p1 =	slt.u32 s9, $0xF7A;
	s5 =	simm.s32 @!p2 $0x0  }
0x1d: {  	s5 =	simm.s32 @p1 $0x1;
	p0 =	seq.s32 s7, s2  }
0x1e: {  	s7 =	smul.u32 @!p0 $0xF7A, s2;
	p2 =	seq.s32 @!p0 s5, $0x0  }
0x1f: {  	s9 =	smul.u32 $0xF7A, s1;
	s8 =	simm.s32 @!p0 $0x1BF5;
	p2 =	por !p2, p0  }
0x20: {  	[sflag:s8] =	ssyncset.s32 @!p0 $0xFFFFF086;
	s6 =	sadd.s32 @!p0 s3, s7;
	s7 =	simm.s32 @!p0 $0x108  }
0x21: {  	s3 =	sadd.s32 s3, s9;
	s6 =	sadd.s32 @!p0 $0x88, s6;
	s7 =	simm.s32 @p2 $0x1082  }
0x22: {  	[simem:s7], [sflag:s8] =	dma.local @!p0 [hbm:s6], $0xF7A  }
0x23: {  	s9 =	sor.u32 $0xD0000000, s2;
	s6 =	simm.s32 $0x108;
	_ =	swait.ge @!p0 [sflag:s8], $0x0  }
0x24: {  	s3 =	sadd.s32 $0x88, s3;
	s6 =	simm.s32 @!p1 $0x1082;
	[sflag:s4] =	ssyncset.s32 $0xFFFFF086  }
0x25: {  	[simem:s6], [sflag:s4] =	dma.local [hbm:s3], $0xF7A  }
0x26: {  	[smem:$0x3F9A] =	sst s1;
	(tag) =	ssettag s2;
	_ =	strace s9  }
0x27: {  	s1 =	sld [smem:$0x3FAA]  }
0x28: {  	s2 =	sld [smem:$0x3FAB]  }
0x29: {  	s4 =	sld [smem:$0x3FAD]  }
0x2a: {  	p0 =	seq.s32 s5, $0x0;
	s5 =	sld [smem:$0x3FAE]  }
0x2b: {  	s6 =	sld [smem:$0x3FAF]  }
0x2c: {  	s7 =	sld [smem:$0x3FB0]  }
0x2d: {  	s3 =	simm.s32 $0x108;
	s8 =	sld [smem:$0x3FB1]  }
0x2e: {  	s3 =	simm.s32 @!p0 $0x1082;
	s9 =	sld [smem:$0x3FB2]  }
0x2f: {  	lr =	sadd.s32 s0, s3;
	s0 =	sld [smem:$0x3FA9]  }
0x30: {  	s3 =	sld [smem:$0x3FAC]  }
0x31: {  	[smem:$0x3FB5] =	sst s10  }
0x32: {  	s10 =	sld [smem:$0x3FB3];
	_ =	sdelay $0x3  }
0x33: {  	p0 =	seq.s32 s10, $0x1;
	s10 =	sld [smem:$0x3FB5];
	_ =	sdelay $0x3  }
0x34: {  	[smem:$0x3FB5] =	sst s10  }
0x35: {  	s10 =	sld [smem:$0x3FB4];
	_ =	sdelay $0x3  }
0x36: {  	p1 =	seq.s32 s10, $0x1;
	s10 =	sld [smem:$0x3FB5];
	_ =	sdelay $0x3  }
0x37: {  	[smem:$0x3FB5] =	sst s10  }
0x38: {  	s10 =	sld [smem:$0x3FB6]  }
0x39: {  	_ = 	snop;
	(pc) =	sbr.ind lr, $3  }
0x3a: {  	_ = 	snop  }
0x3b: {  	_ = 	snop  }
0x3c: {  	p2 =	seq.s32 s10, $0x1;
	s10 =	sld [smem:$0x3FB5]  }
0x3d: {  	_ =	shalt  }
0x3e: {  	_ =	shalt  }
0x3f: {  	_ =	shalt  }
0x40: {  	_ =	shalt  }
0x41: {  	_ =	shalt  }
0x42: {  	_ =	shalt  }
0x43: {  	_ =	shalt  }
0x44: {  	_ =	shalt  }
0x45: {  	_ =	shalt  }
0x46: {  	_ =	shalt  }
0x47: {  	_ =	shalt  }
0x48: {  	_ =	shalt  }
0x49: {  	_ =	shalt  }
0x4a: {  	_ =	shalt  }
0x4b: {  	_ =	shalt  }
0x4c: {  	_ =	shalt  }
0x4d: {  	_ =	shalt  }
0x4e: {  	_ =	shalt  }
0x4f: {  	_ =	shalt  }
0x50: {  	_ =	shalt  }
0x51: {  	_ =	shalt  }
0x52: {  	_ =	shalt  }
0x53: {  	_ =	shalt  }
0x54: {  	_ =	shalt  }
0x55: {  	_ =	shalt  }
0x56: {  	_ =	shalt  }
0x57: {  	_ =	shalt  }
0x58: {  	_ =	shalt  }
0x59: {  	_ =	shalt  }
0x5a: {  	_ =	shalt  }
0x5b: {  	_ =	shalt  }
0x5c: {  	_ =	shalt  }
0x5d: {  	_ =	shalt  }
0x5e: {  	_ =	shalt  }
0x5f: {  	_ =	shalt  }
0x60: {  	_ =	shalt  }
0x61: {  	_ =	shalt  }
0x62: {  	_ =	shalt  }
0x63: {  	_ =	shalt  }
0x64: {  	_ =	shalt  }
0x65: {  	_ =	shalt  }
0x66: {  	_ =	shalt  }
0x67: {  	_ =	shalt  }
0x68: {  	_ =	shalt  }
0x69: {  	_ =	shalt  }
0x6a: {  	_ =	shalt  }
0x6b: {  	_ =	shalt  }
0x6c: {  	_ =	shalt  }
0x6d: {  	_ =	shalt  }
0x6e: {  	_ =	shalt  }
0x6f: {  	_ =	shalt  }
0x70: {  	_ =	shalt  }
0x71: {  	_ =	shalt  }
0x72: {  	_ =	shalt  }
0x73: {  	_ =	shalt  }
0x74: {  	_ =	shalt  }
0x75: {  	_ =	shalt  }
0x76: {  	_ =	shalt  }
0x77: {  	_ =	shalt  }
0x78: {  	_ =	shalt  }
0x79: {  	_ =	shalt  }
0x7a: {  	_ =	shalt  }
0x7b: {  	_ =	shalt  }
0x7c: {  	_ =	shalt  }
0x7d: {  	_ =	shalt  }
0x7e: {  	_ =	shalt  }
0x7f: {  	_ =	shalt  }
0x80: {  	_ =	shalt  }
0x81: {  	_ =	shalt  }
0x82: {  	_ =	shalt  }
0x83: {  	_ =	shalt  }
0x84: {  	_ =	shalt  }
0x85: {  	_ =	shalt  }
0x86: {  	_ =	shalt  }
0x87: {  	_ =	shalt  }
.Lfunc_end0:
.L_simem_size_0:
called_computation_lowered:
.L_overlay_start_0:
0x88: {  	s2 =	sld [smem:$0x3FD9]  }
0x89: {  	s3 =	sld [smem:$0x3FFE];
	_ =	sdelay $0x1  }
0x8a: {  	s1 =	srdreg.scid  }
0x8b: {  	s0 =	sand.u32 $0x1, s1  }
0x8c: {  	s17 =	sshll.u32 s0, $0xA;
	s2 =	sadd.s32 s3, s2  }
0x8d: {  	s2 =	sadd.s32 s2, s17  }
0x8e: {  	[smem:$0x3FC1] =	sst s2  }
0x8f: {  	_ = 	snop  }
0x90: {  	s2 =	sld [smem:$0x3FD0];
	(tm) =	ssettm $0x1  }
0x91: {  	s18 =	sld [smem:$0x3FFB];
	_ =	sdelay $0x3  }
0x92: {  	_ =	strace s18  }
0x93: {  	s3 =	sld [smem:$0x3FFC];
	_ =	sdelay $0x3  }
0x94: {  	_ =	strace s3  }
0x95: {  	s3 =	sld [smem:$0x3FFD];
	_ =	sdelay $0x3  }
0x96: {  	_ =	strace s3  }
0x97: {  	_ =	strace $0x8FFFFFFF  }
0x98: {  	s19 =	sld [smem:$0x3FDB];
	_ =	sdelay $0x1  }
0x99: {  	s4 =	simm.s32 $_scs_section_size  }
0x9a: {  	s5 =	simm.s32 $_size__tile_overlayer_lowered;
	s6 =	simm.s32 $_tile_overlayer_lowered  }
0x9b: {  	s22 =	simm.s32 $0x1BFF;
	s21 =	sshll.u32 s6, $0x1;
	s3 =	sadd.s32 s4, s19  }
0x9c: {  	s7 =	simm.s32 $0x0;
	s20 =	sshll.u32 s5, $0x1;
	s5 =	sadd.s32 s21, s3  }
0x9d: {  	[timem:s7], [sflag:s22] =	dma.local [hbm:s5], s20  }
0x9e: {  	_ =	swait.ge [sflag:s22], s20  }
0x9f: {  	s4 =	ssub.s32 $0x0, s20;
	[sflag:s22] =	ssyncset.done $0x0  }
0xa0: {  	[sflag:s22] =	ssyncadd.s32 s4;
	_ =	sdelay $0x1  }
0xa1: {  	s23 =	simm.s32 $0x1B8B  }
0xa2: {  	_ =	swait.ge [sflag:s23], $0x1  }
0xa3: {  	[sflag:s23] =	ssyncset.done $0x0  }
0xa4: {  	s25 =	simm.s32 $0x1B8E;
	s24 =	sld [smem:$0x3FFE];
	[sflag:s23] =	ssyncadd.s32 $0xFFFFFFFF  }
0xa5: {  	s26 =	simm.s32 $execute0_lowered;
	[smem:$0x3FD2] =	sst s25  }
0xa6: {  	s5 =	sshll.u32 s26, $0x1;
	_ =	strace $0x80000046;
	[dreg:$0x1] =	wrdreg $0xFFFFFFFF  }
0xa7: {  	s28 =	simm.s32 $_size_execute0_lowered;
	s3 =	sadd.s32 s3, s5;
	[dreg:$0x0] =	wrdreg $0x0  }
0xa8: {  	s5 =	sshll.u32 s28, $0x1;
	[dreg:$0x2] =	wrdreg s3  }
0xa9: {  	[dreg:$0x3] =	wrdreg s5  }
0xaa: {  	[dreg:$0x4] =	wrdreg $0xC0  }
0xab: {  	_ =	task [dreg:s7], $0x5FFFF  }
0xac: {  	[dreg:$0x1] =	wrdreg $0xFFFFFFFF  }
0xad: {  	[dreg:$0x0] =	wrdreg $0x60  }
0xae: {  	[dreg:$0x2] =	wrdreg s2  }
0xaf: {  	[dreg:$0x3] =	wrdreg s24  }
0xb0: {  	[dreg:$0x4] =	wrdreg $0x9  }
0xb1: {  	_ =	task.clear_ibuf [dreg:s7], $0x5FFFF;
	_ =	strace $0x90000046  }
0xb2: {  	s29 =	simm.s32 $0x9;
	_ =	strace $0x80000048  }
0xb3: {  	_ =	swait.ge [sflag:s29], $0x1  }
0xb4: {  	[sflag:s29] =	ssyncadd.s32 $0xFFFFFFFF  }
0xb5: {  	_ =	strace $0x90000048  }
0xb6: {  	_ =	sfence  }
0xb7: {  	s30 =	sld [smem:$0x0];
	_ =	sdelay $0x2  }
0xb8: {  	s31 =	sshll.u32 s1, $0xD;
	s1 =	sshrl.u32 s1, $0x2  }
0xb9: {  	s3 =	sand.u32 $0x4000, s31;
	s1 =	sadd.s32 s1, s30  }
0xba: {  	s0 =	sor.u32 s3, s0;
	s1 =	sshll.u32 s1, $0x11  }
0xbb: {  	s0 =	sor.u32 s1, s0  }
0xbc: {  	s0 =	sadd.s32 $0x8F2B, s0  }
0xbd: {  	[sflag:s0] =	ssyncadd.remote.s32 $0x1  }
0xbe: {  	_ =	sfence.sel $0xFFFF  }
0xbf: {  	[dreg:$0x0] =	wrdreg $0xFFFFFFFF;
	(pc) =	sbr.abs _section_cstart, $3  }
0xc0: {  	[dreg:$0x1] =	wrdreg $0xFFFFFFFF  }
0xc1: {  	_ =	task.clear_ibuf [dreg:s7], $0x2FFFF;
	_ =	strace $0x9FFFFFFF  }
0xc2: {  	(tm) =	ssettm $0x7FFFFFFF  }
0xc3: {  	_ =	shalt  }
tec
execute0_lowered:
.L_overlay_start_1:
0x0: {  	(tag) =	ssettag $0x1  }
0x1: {  	s4 =	rddreg [dreg:$0x0]  }
0x2: {  	s5 =	rddreg [dreg:$0x1]  }
0x3: {  	s0 =	rddreg [dreg:$0x2];
	s3 =	srdreg.scid  }
0x4: {  	s1 =	stileid.u32;
	s2 =	simm.s32 $0x0;
	s12 =	simm.s32 $0x6000  }
0x5: {  	s13 =	simm.s32 $0x8080;
	s14 =	simm.s32 $0x80;
	s16 =	simm.s32 $0x1  }
0x6: {  	s3 =	sand.u32 $0x1, s3;
	s6 =	sshll.u32 s1, $0x1;
	[smem:$0x7FF] =	sst s2  }
0x7: {  	s17 =	simm.s32 $0x0;
	s6 =	sor.u32 s3, s6;
	_ =	strace $0x80000047  }
0x8: {  	s8 =	ssub.s32 $0x2, s3;
	s3 =	sadd.s32 $0x119C00, s5;
	s7 =	sshll.u32 s6, $0xF  }
0x9: {  	s31 =	sshll.u32 s6, $0xA;
	s10 =	sshrl.u32 s8, $0x1;
	s15 =	sshll.u32 s6, $0xD  }
0xa: {  	s9 =	sadd.s32 s7, s5;
	s11 =	sadd.s32 s31, s5;
	s10 =	ssub.s32 s8, s10  }
0xb: {  	s4 =	sadd.s32 s4, s31;
	v0 =	vmov s15;
	s15 =	simm.s32 $0x8000;
	s5 =	sadd.s32 $0x101C00, s11  }
0xc: {  	s6 =	sadd.s32 $0x109C00, s11;
	s7 =	sadd.s32 $0x111C00, s11;
	s8 =	sadd.s32 $0x1C00, s9  }
0xd: {  	v1 =	vlaneseq.u32;
	s9 =	smax.u32 s10, $0x1;
	s10 =	simm.s32 $0x2;
	s11 =	simm.s32 $0x4000  }
.LBB2_1:
0xe: {  	[tilespmem:s2], [sflag:$0x2] =	stream.linear.gather [hbm4b:s4+s2], $0x2000, $0x38;
	[tilespmem:$0xC080] =	vst v63  }
0xf: {  	_ =	swait.ge [sflag:s10], $0x2000  }
0x10: {  	[sflag:s10] =	ssyncset.done $0x0  }
0x11: {  	s18 =	simm.s32 $0x2000;
	[sflag:s10] =	ssyncadd.s32 $0xFFFFE000  }
0x12: {  	[tilespmem:s18], [sflag:$0x2] =	stream.linear.gather [hbm4b:s5+s2], $0x2000, $0x38;
	[tilespmem:$0xC080] =	vst v63  }
0x13: {  	_ =	swait.ge [sflag:s10], $0x2000  }
0x14: {  	[sflag:s10] =	ssyncset.done $0x0  }
0x15: {  	[sflag:s10] =	ssyncadd.s32 $0xFFFFE000  }
0x16: {  	v2 =	vld [tilespmem:s2+$0x0];
	_ =	sdelay $0x5  }
0x17: {  	v3 =	vor.u32 s2, v1  }
0x18: {  	v3 =	vand.u32 $0x7FF, v3  }
0x19: {  	[tilespmem:v2+s11+$0x0] =	vst.idx.msk $0xffff, v3  }
0x1a: {  	v3 =	vld [tilespmem:s18+$0x0];
	_ =	sdelay $0x4  }
0x1b: {  	s19 =	simm.s32 $0x10;
	[tilespmem:v2+s12+$0x0] =	vst.idx.msk $0xffff, v3  }
0x1c: {  	s20 =	simm.s32 $0x20;
	s21 =	simm.s32 $0x10;
	v2 =	vld [tilespmem:s19+$0x0]  }
.LBB2_2:
0x1d: {  	p0 =	sne.s32 s20, $0x1FF0;
	_ =	sdelay $0x4  }
0x1e: {  	v3 =	vor.u32 s19, v1;
	s19 =	smov.u32 s20  }
0x1f: {  	v3 =	vand.u32 $0x7FF, v3  }
0x20: {  	s18 =	sadd.s32 $0x10, s18;
	[tilespmem:v2+s11+$0x0] =	vst.idx.msk $0xffff, v3  }
0x21: {  	v3 =	vld [tilespmem:s18+$0x0];
	_ =	sdelay $0x1  }
.Ltmp0:
0x22: {  	(pc) =	sbr.rel @p0 .LBB2_2-.Ltmp0, $3  }
0x23: {  	_ =	sdelay $0x1  }
0x24: {  	s21 =	sadd.s32 $0x10, s21;
	[tilespmem:v2+s12+$0x0] =	vst.idx.msk $0xffff, v3  }
0x25: {  	s20 =	sadd.s32 $0x10, s20;
	v2 =	vld [tilespmem:s21+$0x0]  }
0x26: {  	_ =	sdelay $0x5  }
0x27: {  	v3 =	vor.u32 s19, v1  }
0x28: {  	v3 =	vand.u32 $0x7FF, v3  }
0x29: {  	s18 =	sadd.s32 $0x10, s18;
	[tilespmem:v2+s11+$0x0] =	vst.idx.msk $0xffff, v3  }
0x2a: {  	v3 =	vld [tilespmem:s18+$0x0];
	_ =	sdelay $0x4  }
0x2b: {  	s31 =	simm.s32 $0x0;
	[tilespmem:v2+s12+$0x0] =	vst.idx.msk $0xffff, v3  }
0x2c: {  	[hbm4b:s6+s31] =	stream.linear.scatter [tilespmem:s11], [sflag:$0x2], $0x2000, $0x38;
	[tilespmem:$0xC080] =	vst v63  }
0x2d: {  	_ =	swait.ge [sflag:s10], $0x2000  }
0x2e: {  	[sflag:s10] =	ssyncset.done $0x0  }
0x2f: {  	[sflag:s10] =	ssyncadd.s32 $0xFFFFE000  }
0x30: {  	[hbm4b:s7+s31] =	stream.linear.scatter [tilespmem:s12], [sflag:$0x2], $0x2000, $0x38;
	[tilespmem:$0xC080] =	vst v63  }
0x31: {  	_ =	swait.ge [sflag:s10], $0x2000  }
0x32: {  	[sflag:s10] =	ssyncset.done $0x0  }
0x33: {  	s18 =	simm.s32 $0x40;
	[sflag:s10] =	ssyncadd.s32 $0xFFFFE000  }
0x34: {  	v2 =	vld [tilespmem:s18+$0xFFFFFFC0];
	_ =	sdelay $0x4  }
0x35: {  	v2 =	vadd.s32 v0, v2  }
0x36: {  	[tilespmem:$0x8000] =	vst v2  }
0x37: {  	v2 =	vld [tilespmem:s18+$0xFFFFFFD0];
	_ =	sdelay $0x4  }
0x38: {  	v2 =	vadd.s32 v0, v2  }
0x39: {  	[tilespmem:$0x8010] =	vst v2  }
0x3a: {  	v2 =	vld [tilespmem:s18+$0xFFFFFFE0];
	_ =	sdelay $0x4  }
0x3b: {  	v2 =	vadd.s32 v0, v2  }
0x3c: {  	[tilespmem:$0x8020] =	vst v2  }
0x3d: {  	v2 =	vld [tilespmem:s18+$0xFFFFFFF0];
	_ =	sdelay $0x4  }
0x3e: {  	v2 =	vadd.s32 v0, v2  }
0x3f: {  	[tilespmem:$0x8030] =	vst v2  }
0x40: {  	v2 =	vld [tilespmem:s18+$0x0];
	_ =	sdelay $0x4  }
0x41: {  	v2 =	vadd.s32 v0, v2  }
0x42: {  	[tilespmem:$0x8040] =	vst v2  }
0x43: {  	v2 =	vld [tilespmem:s18+$0x10];
	_ =	sdelay $0x4  }
0x44: {  	v2 =	vadd.s32 v0, v2  }
0x45: {  	[tilespmem:$0x8050] =	vst v2  }
0x46: {  	v2 =	vld [tilespmem:s18+$0x20];
	_ =	sdelay $0x4  }
0x47: {  	v2 =	vadd.s32 v0, v2  }
0x48: {  	[tilespmem:$0x8060] =	vst v2  }
0x49: {  	v2 =	vld [tilespmem:s18+$0x30];
	_ =	sdelay $0x4  }
0x4a: {  	s19 =	sand.u32 $0x7800, s31;
	v2 =	vadd.s32 v0, v2  }
0x4b: {  	s19 =	sadd.s32 s19, s8;
	[tilespmem:$0x8070] =	vst v2  }
0x4c: {  	[tilespmem:s13], [sflag:$0x2] =	stream.linear.gather [hbm4b:s19+s2], $0x4000, $0x38;
	[tilespmem:$0xC080] =	vst v63  }
0x4d: {  	_ =	swait.ge [sflag:s10], $0x4000  }
0x4e: {  	[sflag:s10] =	ssyncset.done $0x0  }
0x4f: {  	[sflag:s10] =	ssyncadd.s32 $0xFFFFC000  }
0x50: {  	[hbm4b:s3+s14] =	stream.indirect.scatter [tilespmem:s13], [sflag:$0x1], $0x80, s15, s14, $0xb8;
	[tilespmem:$0xC080] =	vst v63  }
0x51: {  	_ =	swait.ge [sflag:s16], $0x4000  }
0x52: {  	s19 =	simm.s32 $0x800;
	[sflag:s16] =	ssyncset.done $0x0  }
.LBB2_4:
0x53: {  	p0 =	sne.s32 s19, $0x1F800;
	[sflag:s16] =	ssyncadd.s32 $0xFFFFC000;
	s18 =	sadd.s32 $0x80, s18  }
0x54: {  	s20 =	smov.u32 s19;
	s19 =	sadd.s32 $0x800, s19;
	v2 =	vld [tilespmem:s18+$0xFFFFFFC0];
	_ =	sdelay $0x4  }
0x55: {  	v2 =	vadd.s32 v0, v2  }
0x56: {  	[tilespmem:$0x8000] =	vst v2  }
0x57: {  	v2 =	vld [tilespmem:s18+$0xFFFFFFD0];
	_ =	sdelay $0x4  }
0x58: {  	v2 =	vadd.s32 v0, v2  }
0x59: {  	[tilespmem:$0x8010] =	vst v2  }
0x5a: {  	v2 =	vld [tilespmem:s18+$0xFFFFFFE0];
	_ =	sdelay $0x4  }
0x5b: {  	v2 =	vadd.s32 v0, v2  }
0x5c: {  	[tilespmem:$0x8020] =	vst v2  }
0x5d: {  	v2 =	vld [tilespmem:s18+$0xFFFFFFF0];
	_ =	sdelay $0x4  }
0x5e: {  	v2 =	vadd.s32 v0, v2  }
0x5f: {  	[tilespmem:$0x8030] =	vst v2  }
0x60: {  	v2 =	vld [tilespmem:s18+$0x0];
	_ =	sdelay $0x4  }
0x61: {  	v2 =	vadd.s32 v0, v2  }
0x62: {  	[tilespmem:$0x8040] =	vst v2  }
0x63: {  	v2 =	vld [tilespmem:s18+$0x10];
	_ =	sdelay $0x4  }
0x64: {  	v2 =	vadd.s32 v0, v2  }
0x65: {  	[tilespmem:$0x8050] =	vst v2  }
0x66: {  	v2 =	vld [tilespmem:s18+$0x20];
	_ =	sdelay $0x4  }
0x67: {  	v2 =	vadd.s32 v0, v2  }
0x68: {  	[tilespmem:$0x8060] =	vst v2  }
0x69: {  	v2 =	vld [tilespmem:s18+$0x30];
	_ =	sdelay $0x4  }
0x6a: {  	s20 =	sand.u32 $0x7800, s20;
	v2 =	vadd.s32 v0, v2  }
0x6b: {  	s20 =	sadd.s32 s20, s8;
	[tilespmem:$0x8070] =	vst v2  }
0x6c: {  	[tilespmem:s13], [sflag:$0x2] =	stream.linear.gather [hbm4b:s20+s2], $0x4000, $0x38;
	[tilespmem:$0xC080] =	vst v63  }
0x6d: {  	_ =	swait.ge [sflag:s10], $0x4000  }
.Ltmp1:
0x6e: {  	[sflag:s10] =	ssyncset.done $0x0;
	(pc) =	sbr.rel @p0 .LBB2_4-.Ltmp1, $4  }
0x6f: {  	[sflag:s10] =	ssyncadd.s32 $0xFFFFC000  }
0x70: {  	[hbm4b:s3+s14] =	stream.indirect.scatter [tilespmem:s13], [sflag:$0x1], $0x80, s15, s14, $0xb8;
	[tilespmem:$0xC080] =	vst v63  }
0x71: {  	_ =	swait.ge [sflag:s16], $0x4000  }
0x72: {  	[sflag:s16] =	ssyncset.done $0x0  }
0x73: {  	s17 =	sadd.s32 $0x1, s17  }
0x74: {  	p0 =	sne.s32 s17, s9  }
.Ltmp2:
0x75: {  	_ = 	snop;
	(pc) =	sbr.rel @p0 .LBB2_1-.Ltmp2, $2  }
0x76: {  	_ =	sdelay $0x2  }
0x77: {  	[sflag:s16] =	ssyncadd.s32 $0xFFFFC000  }
0x78: {  	_ =	sfence.sel $0x180000  }
0x79: {  	[bflag:$0x0] =	sbarrier.arrive $0xFFFF  }
0x7a: {  	p0 =	sne.s32 s1, $0x0;
	_ =	strace $0x90000047  }
0x7b: {  	s0 =	sadd.s32 @!p0 $0x100000, s0;
	[bflag:$0x2] =	sbarrier.arrive $0xFFFF  }
0x7c: {  	[sflag:s0] =	ssyncadd.tile.s32 @!p0 $0x1;
	_ =	shalt  }
.Lfunc_end2:
_tile_overlayer_lowered:
.L_overlay_start_2:
0x7d: {  	(tag) =	ssettag $0x2  }
0x7e: {  	s0 =	rddreg [dreg:$0x0];
	s2 =	stileid.u32  }
0x7f: {  	s1 =	rddreg [dreg:$0x1];
	p0 =	sne.s32 s2, $0x0  }
0x80: {  	s3 =	rddreg [dreg:$0x2];
	[bflag:$0x3] =	sbarrier.arrive $0xFFFF;
	s2 =	simm.s32 @!p0 $0x1C02  }
0x81: {  	[timem:s3], [sflag:s2] =	dma.local @!p0 [hbm:s0], s1  }
0x82: {  	s0 =	simm.s32 @!p0 $0x2  }
0x83: {  	_ =	swait.ge @!p0 [sflag:s0], s1  }
0x84: {  	s1 =	ssub.s32 @!p0 $0x0, s1;
	[sflag:s0] =	ssyncset.done @!p0 $0x0  }
0x85: {  	[sflag:s0] =	ssyncadd.s32 @!p0 s1  }
0x86: {  	[bflag:$0x3] =	sbarrier.arrive $0xFFFF  }
0x87: {  	_ =	shalt  }

</sc_bundles>
